<compile_context>
chip_gen: v7x
topology: tpu7x:2x2x1
jax: 0.10.2.dev20260603
libtpu: 0.0.44.dev20260713+nightly
codegen_flags: <defaults>
</compile_context>

<pallas_src>
import jax
import jax.numpy as jnp
from jax import lax
from jax.experimental import pallas as pl
from jax.experimental.pallas import tpu as pltpu
from jax.experimental.pallas import tpu_sc as plsc

NC = 2
NS = 16
F = 26
FH = F // 2
BPT = 1024
SBLK = 488
SREM = 5
G = 128
DB = 8
VB = 128


def _body(xidx, tview, dummy, out, idx_v, gout, spmem, gsem0, gsem1,
          osem0, osem1, ssem, ssem2):
    cid = lax.axis_index("c")
    sid = lax.axis_index("s")
    nvb = tview.shape[1]
    dpc = (tview.shape[0] * DB) // NC
    gsems = (gsem0, gsem1)
    osems = (osem0, osem1)
    njg = BPT // G
    d0 = cid * dpc

    @pl.loop(0, F)
    def _idx(f):
        pltpu.sync_copy(xidx.at[f * NS + sid], idx_v.at[f])

    def stage_fire(d):
        dg = d0 + d
        i = dg // DB
        r = dg % DB
        base = sid * SBLK

        @pl.loop(0, SBLK // 2, unroll=4)
        def _st(k):
            j = base + k
            pltpu.async_copy(tview.at[i, j, r],
                             spmem.at[pl.ds(j * VB, VB)], ssem)
            j2 = base + SBLK // 2 + k
            pltpu.async_copy(tview.at[i, j2, r],
                             spmem.at[pl.ds(j2 * VB, VB)], ssem2)

        @pl.when(sid == 0)
        def _():
            @pl.loop(0, SREM)
            def _st2(k):
                j = NS * SBLK + k
                pltpu.async_copy(tview.at[i, j, r],
                                 spmem.at[pl.ds(j * VB, VB)], ssem)

    def stage_wait(d):
        half = SBLK // 2 * VB
        pltpu.make_async_copy(
            dummy.at[pl.ds(0, half)],
            spmem.at[pl.ds(sid * SBLK * VB, half)], ssem).wait()
        pltpu.make_async_copy(
            dummy.at[pl.ds(0, half)],
            spmem.at[pl.ds(sid * SBLK * VB + half, half)], ssem2).wait()

        @pl.when(sid == 0)
        def _():
            pltpu.make_async_copy(
                dummy.at[pl.ds(0, SREM * VB)],
                spmem.at[pl.ds(NS * SBLK * VB, SREM * VB)], ssem).wait()

    def fire_gathers(s):
        @pl.loop(0, FH)
        def _(fh):
            for j in range(njg):
                pltpu.async_copy(
                    spmem.at[idx_v.at[s * FH + fh, pl.ds(j * G, G)]],
                    gout.at[s, fh, j], gsems[s])

    def drain_gathers(s):
        pltpu.make_async_copy(tview.at[0, pl.ds(0, FH)], gout.at[s],
                              gsems[s]).wait()

    def fire_out(s, d):
        dg = d0 + d
        i = dg // DB
        r = dg % DB

        @pl.loop(0, FH)
        def _(fh):
            pltpu.async_copy(
                gout.at[s, fh],
                out.at[s * FH + fh, i, pl.ds(sid * DB, DB), r], osems[s])

    def drain_out(s, d):
        pltpu.make_async_copy(tview.at[0, pl.ds(0, FH)], gout.at[s],
                              osems[s]).wait()

    stage_fire(0)
    stage_wait(0)
    plsc.subcore_barrier()

    @pl.loop(0, dpc)
    def _cols(d):
        @pl.when(d >= 1)
        def _():
            drain_out(0, d - 1)
            drain_out(1, d - 1)
        fire_gathers(0)
        fire_gathers(1)
        drain_gathers(0)
        fire_out(0, d)
        drain_gathers(1)
        fire_out(1, d)
        plsc.subcore_barrier()

        @pl.when(d + 1 < dpc)
        def _():
            stage_fire(d + 1)
            stage_wait(d + 1)
        plsc.subcore_barrier()

    drain_out(0, dpc - 1)
    drain_out(1, dpc - 1)


def kernel(x, table):
    B, FF = x.shape
    V, D = table.shape
    vpad = (-V) % VB
    nvb = (V + vpad) // VB
    ndb = D // DB
    xidx = jnp.swapaxes(x, 0, 1).astype(jnp.int32).reshape(FF * NS, B // NS)
    tpad = jnp.pad(table, ((0, vpad), (0, 0)))
    tview = (tpad.T.reshape(ndb, DB, nvb, VB).transpose(0, 2, 1, 3))
    dummy = jnp.zeros((SBLK * VB,), jnp.float32)
    mesh = plsc.VectorSubcoreMesh(core_axis_name="c", subcore_axis_name="s")
    out = pl.kernel(
        _body,
        out_type=jax.ShapeDtypeStruct((FF, ndb, B // VB, DB, VB),
                                      jnp.float32),
        mesh=mesh,
        scratch_types=[
            pltpu.VMEM((F, BPT), jnp.int32),
            pltpu.VMEM((2, FH, DB, G), jnp.float32),
            pltpu.VMEM_SHARED((nvb * VB,), jnp.float32),
            pltpu.SemaphoreType.DMA,
            pltpu.SemaphoreType.DMA,
            pltpu.SemaphoreType.DMA,
            pltpu.SemaphoreType.DMA,
            pltpu.SemaphoreType.DMA,
            pltpu.SemaphoreType.DMA,
        ],
        compiler_params=pltpu.CompilerParams(use_tc_tiling_on_sc=False),
    )(xidx, tview, dummy)
    return (out.transpose(0, 1, 3, 2, 4).reshape(FF, D, B)
            .transpose(2, 0, 1))

# --- scband reference (transcript-rebuilt; emitter-appended) ---
"""Pipeline reference for scband-embedding-categorical-24807731102390 (READ-ONLY COPY).

The authoritative reference and input builder live on the scoring server;
editing this copy changes nothing except your own understanding.
"""

import jax, jax.numpy as jnp
import numpy as np

NUM_TOTAL_TOKENS = 1000000
DIM = 32
BATCH = 16384
FIELDS = 26

def setup_inputs(seed: int = 0) -> dict:
    key = jax.random.key(seed)
    k1, k2 = jax.random.split(key)
    x = jax.random.randint(k1, (BATCH, FIELDS), 0, NUM_TOTAL_TOKENS, dtype=jnp.int64 if jax.config.read('jax_enable_x64') else jnp.int32)
    # nn.Embedding default init: N(0, 1)
    table = jax.random.normal(k2, (NUM_TOTAL_TOKENS, DIM), dtype=jnp.float32)
    return {"x": x, "table": table}

def reference(x, table):
    # Faithful translation of EmbeddingCategorical.forward: embedding lookup
    return jnp.take(table, x, axis=0)

if __name__ == "__main__":
    import jax
    _d = setup_inputs()
    print(jax.jit(kernel)(*tuple(_d.values())))

</pallas_src>

<mosaic_0001>
#map = affine_map<(d0, d1) -> (0, 0)>
#map1 = affine_map<(d0, d1) -> (0, 0, 0, 0)>
#map2 = affine_map<(d0, d1) -> (0)>
#map3 = affine_map<(d0, d1) -> (0, 0, 0, 0, 0)>
module attributes {stable_mosaic.version = 14 : i64} {
  func.func @_body(%arg0: i32, %arg1: i32, %arg2: memref<416x1024xi32, #tpu.memory_space<hbm>>, %arg3: memref<4x7813x8x128xf32, #tpu.memory_space<hbm>>, %arg4: memref<62464xf32, #tpu.memory_space<hbm>>, %arg5: memref<26x4x128x8x128xf32, #tpu.memory_space<hbm>>, %arg6: memref<26x1024xi32, #tpu.memory_space<vmem>>, %arg7: memref<2x13x8x128xf32, #tpu.memory_space<vmem>>, %arg8: memref<1000064xf32, #tpu.memory_space<vmem_shared>>, %arg9: memref<!tpu.dma_semaphore, #tpu.memory_space<semaphore_mem>>, %arg10: memref<!tpu.dma_semaphore, #tpu.memory_space<semaphore_mem>>, %arg11: memref<!tpu.dma_semaphore, #tpu.memory_space<semaphore_mem>>, %arg12: memref<!tpu.dma_semaphore, #tpu.memory_space<semaphore_mem>>, %arg13: memref<!tpu.dma_semaphore, #tpu.memory_space<semaphore_mem>>, %arg14: memref<!tpu.dma_semaphore, #tpu.memory_space<semaphore_mem>>) attributes {dimension_semantics = [#tpu.dimension_semantics<core_parallel>, #tpu.dimension_semantics<subcore_parallel>], iteration_bounds = array<i64: 2, 16>, scalar_prefetch = 0 : i64, scratch_operands = 9 : i64, tpu.core_type = #tpu.core_type<sc_vector_subcore>, window_params = [{transform_indices = #map}, {transform_indices = #map1}, {transform_indices = #map2}, {transform_indices = #map3}]} {
    %mul3A = arith.constant 16 : i32
    %mul3A_0 = arith.muli %arg0, %mul3A : i32
    %scan3A = arith.constant 0 : i32
    %scan3A_1 = arith.constant 26 : i32
    %scan3A_2 = arith.addi %scan3A, %scan3A_1 : i32
    %scan3A_3 = arith.constant 1 : i32
    scf.for %scan3A_115 = %scan3A to %scan3A_2 step %scan3A_3  : i32 {
      %mul3A_116 = arith.constant 1 : i32
      %mul3A_117 = arith.muli %scan3A_115, %mul3A_116 : i32
      %add3A_118 = arith.constant 0 : i32
      %add3A_119 = arith.addi %add3A_118, %mul3A_117 : i32
      %mul3A_120 = arith.constant 16 : i32
      %mul3A_121 = arith.muli %add3A_119, %mul3A_120 : i32
      %add3A_122 = arith.addi %mul3A_121, %arg1 : i32
      "tpu.region"() ({
        %run_scoped3A = tpu.sem_alloc : memref<!tpu.dma_semaphore, #tpu.memory_space<semaphore_mem>>
        %dma_start3A = arith.constant 0 : i32
        %dma_start3A_123 = tpu.memref_slice %arg6[%add3A_119, %dma_start3A] : memref<26x1024xi32, #tpu.memory_space<vmem>> -> memref<1x1024xi32, #tpu.memory_space<vmem>>
        %dma_start3A_124 = tpu.memref_squeeze %dma_start3A_123 : memref<1x1024xi32, #tpu.memory_space<vmem>> -> memref<1024xi32, #tpu.memory_space<vmem>>
        %dma_start3A_125 = arith.constant 0 : i32
        %dma_start3A_126 = tpu.memref_slice %arg2[%add3A_122, %dma_start3A_125] : memref<416x1024xi32, #tpu.memory_space<hbm>> -> memref<1x1024xi32, #tpu.memory_space<hbm>>
        %dma_start3A_127 = tpu.memref_squeeze %dma_start3A_126 : memref<1x1024xi32, #tpu.memory_space<hbm>> -> memref<1024xi32, #tpu.memory_space<hbm>>
        %dma_start3A_128 = arith.constant 0 : i32
        %dma_start3A_129 = tpu.memref_slice %arg6[%add3A_119, %dma_start3A_128] : memref<26x1024xi32, #tpu.memory_space<vmem>> -> memref<1x1024xi32, #tpu.memory_space<vmem>>
        %dma_start3A_130 = tpu.memref_squeeze %dma_start3A_129 : memref<1x1024xi32, #tpu.memory_space<vmem>> -> memref<1024xi32, #tpu.memory_space<vmem>>
        %dma_start3A_131 = arith.constant 0 : i32
        %dma_start3A_132 = tpu.memref_slice %arg2[%add3A_122, %dma_start3A_131] : memref<416x1024xi32, #tpu.memory_space<hbm>> -> memref<1x1024xi32, #tpu.memory_space<hbm>>
        %dma_start3A_133 = tpu.memref_squeeze %dma_start3A_132 : memref<1x1024xi32, #tpu.memory_space<hbm>> -> memref<1024xi32, #tpu.memory_space<hbm>>
        tpu.enqueue_dma source(%dma_start3A_133 : memref<1024xi32, #tpu.memory_space<hbm>>) target(%dma_start3A_130 : memref<1024xi32, #tpu.memory_space<vmem>>) target_semaphore(%run_scoped3A : memref<!tpu.dma_semaphore, #tpu.memory_space<semaphore_mem>>)
        %dma_wait3A_134 = arith.constant 0 : i32
        %dma_wait3A_135 = tpu.memref_slice %arg6[%add3A_119, %dma_wait3A_134] : memref<26x1024xi32, #tpu.memory_space<vmem>> -> memref<1x1024xi32, #tpu.memory_space<vmem>>
        %dma_wait3A_136 = tpu.memref_squeeze %dma_wait3A_135 : memref<1x1024xi32, #tpu.memory_space<vmem>> -> memref<1024xi32, #tpu.memory_space<vmem>>
        %dma_wait3A_137 = arith.constant 0 : i32
        %dma_wait3A_138 = tpu.memref_slice %arg2[%add3A_122, %dma_wait3A_137] : memref<416x1024xi32, #tpu.memory_space<hbm>> -> memref<1x1024xi32, #tpu.memory_space<hbm>>
        %dma_wait3A_139 = tpu.memref_squeeze %dma_wait3A_138 : memref<1x1024xi32, #tpu.memory_space<hbm>> -> memref<1024xi32, #tpu.memory_space<hbm>>
        %dma_wait3A_140 = arith.constant 0 : i32
        %dma_wait3A_141 = tpu.memref_slice %arg6[%add3A_119, %dma_wait3A_140] : memref<26x1024xi32, #tpu.memory_space<vmem>> -> memref<1x1024xi32, #tpu.memory_space<vmem>>
        %dma_wait3A_142 = tpu.memref_squeeze %dma_wait3A_141 : memref<1x1024xi32, #tpu.memory_space<vmem>> -> memref<1024xi32, #tpu.memory_space<vmem>>
        %dma_wait3A_143 = arith.constant 0 : i32
        %dma_wait3A_144 = tpu.memref_slice %arg2[%add3A_122, %dma_wait3A_143] : memref<416x1024xi32, #tpu.memory_space<hbm>> -> memref<1x1024xi32, #tpu.memory_space<hbm>>
        %dma_wait3A_145 = tpu.memref_squeeze %dma_wait3A_144 : memref<1x1024xi32, #tpu.memory_space<hbm>> -> memref<1024xi32, #tpu.memory_space<hbm>>
        tpu.wait_dma2 semaphore(%run_scoped3A : memref<!tpu.dma_semaphore, #tpu.memory_space<semaphore_mem>>) src(%dma_wait3A_145 : memref<1024xi32, #tpu.memory_space<hbm>>) dst(%dma_wait3A_142 : memref<1024xi32, #tpu.memory_space<vmem>>)
        tpu.yield
      }) : () -> ()
    }
    %scan3A_4 = arith.constant 26 : i32
    %add3A = arith.constant 0 : i32
    %add3A_5 = arith.addi %mul3A_0, %add3A : i32
    %jit3A = arith.constant 8 : i32
    %div3A = arith.divsi %add3A_5, %jit3A : i32
    %sign3A = arith.constant 0 : i32
    %sign3A_6 = arith.cmpi sgt, %add3A_5, %sign3A : i32
    %sign3A_7 = arith.extui %sign3A_6 : i1 to i32
    %sign3A_8 = arith.constant 0 : i32
    %sign3A_9 = arith.cmpi slt, %add3A_5, %sign3A_8 : i32
    %sign3A_10 = arith.extui %sign3A_9 : i1 to i32
    %sign3A_11 = arith.subi %sign3A_7, %sign3A_10 : i32
    %sign3A_12 = arith.constant 0 : i32
    %sign3A_13 = arith.cmpi sgt, %jit3A, %sign3A_12 : i32
    %sign3A_14 = arith.extui %sign3A_13 : i1 to i32
    %sign3A_15 = arith.constant 0 : i32
    %sign3A_16 = arith.cmpi slt, %jit3A, %sign3A_15 : i32
    %sign3A_17 = arith.extui %sign3A_16 : i1 to i32
    %sign3A_18 = arith.subi %sign3A_14, %sign3A_17 : i32
    %ne3A = arith.cmpi ne, %sign3A_11, %sign3A_18 : i32
    %rem3A = arith.remsi %add3A_5, %jit3A : i32
    %ne3A_19 = arith.constant 0 : i32
    %ne3A_20 = arith.cmpi ne, %rem3A, %ne3A_19 : i32
    %and3A = arith.andi %ne3A, %ne3A_20 : i1
    %sub3A = arith.constant 1 : i32
    %sub3A_21 = arith.subi %div3A, %sub3A : i32
    %select_n3A = arith.select %and3A, %sub3A_21, %div3A : i32
    %jit3A_22 = arith.constant 8 : i32
    %eq3A = arith.constant 0 : i32
    %eq3A_23 = arith.cmpi eq, %jit3A_22, %eq3A : i32
    %jit3A_24 = arith.constant 1 : i32
    %select_n3A_25 = arith.select %eq3A_23, %jit3A_24, %jit3A_22 : i32
    %rem3A_26 = arith.remsi %add3A_5, %select_n3A_25 : i32
    %ne3A_27 = arith.constant 0 : i32
    %ne3A_28 = arith.cmpi ne, %rem3A_26, %ne3A_27 : i32
    %lt3A = arith.constant 0 : i32
    %lt3A_29 = arith.cmpi slt, %rem3A_26, %lt3A : i32
    %lt3A_30 = arith.constant 0 : i32
    %lt3A_31 = arith.cmpi slt, %select_n3A_25, %lt3A_30 : i32
    %ne3A_32 = arith.xori %lt3A_29, %lt3A_31 : i1
    %and3A_33 = arith.andi %ne3A_32, %ne3A_28 : i1
    %add3A_34 = arith.addi %rem3A_26, %select_n3A_25 : i32
    %select_n3A_35 = arith.select %and3A_33, %add3A_34, %rem3A_26 : i32
    %mul3A_36 = arith.constant 488 : i32
    %mul3A_37 = arith.muli %arg1, %mul3A_36 : i32
    %scan3A_38 = arith.constant 0 : i32
    %scan3A_39 = arith.constant 244 : i32
    %scan3A_40 = arith.addi %scan3A_38, %scan3A_39 : i32
    %scan3A_41 = arith.constant 4 : i32
    scf.for %scan3A_115 = %scan3A_38 to %scan3A_40 step %scan3A_41  : i32 {
      %mul3A_116 = arith.constant 1 : i32
      %mul3A_117 = arith.muli %scan3A_115, %mul3A_116 : i32
      %add3A_118 = arith.constant 0 : i32
      %add3A_119 = arith.addi %add3A_118, %mul3A_117 : i32
      %add3A_120 = arith.addi %mul3A_37, %add3A_119 : i32
      %mul3A_121 = arith.constant 128 : i32
      %mul3A_122 = arith.muli %add3A_120, %mul3A_121 : i32
      %dma_start3A = tpu.memref_slice %arg8[%mul3A_122] : memref<1000064xf32, #tpu.memory_space<vmem_shared>> -> memref<128xf32, #tpu.memory_space<vmem_shared>>
      %dma_start3A_123 = arith.constant 0 : i32
      %dma_start3A_124 = tpu.memref_slice %arg3[%select_n3A, %add3A_120, %select_n3A_35, %dma_start3A_123] : memref<4x7813x8x128xf32, #tpu.memory_space<hbm>> -> memref<1x1x1x128xf32, #tpu.memory_space<hbm>>
      %dma_start3A_125 = tpu.memref_squeeze %dma_start3A_124 : memref<1x1x1x128xf32, #tpu.memory_space<hbm>> -> memref<128xf32, #tpu.memory_space<hbm>>
      tpu.enqueue_dma source(%dma_start3A_125 : memref<128xf32, #tpu.memory_space<hbm>>) target(%dma_start3A : memref<128xf32, #tpu.memory_space<vmem_shared>>) target_semaphore(%arg13 : memref<!tpu.dma_semaphore, #tpu.memory_space<semaphore_mem>>)
      %add3A_126 = arith.constant 244 : i32
      %add3A_127 = arith.addi %mul3A_37, %add3A_126 : i32
      %add3A_128 = arith.addi %add3A_127, %add3A_119 : i32
      %mul3A_129 = arith.constant 128 : i32
      %mul3A_130 = arith.muli %add3A_128, %mul3A_129 : i32
      %dma_start3A_131 = tpu.memref_slice %arg8[%mul3A_130] : memref<1000064xf32, #tpu.memory_space<vmem_shared>> -> memref<128xf32, #tpu.memory_space<vmem_shared>>
      %dma_start3A_132 = arith.constant 0 : i32
      %dma_start3A_133 = tpu.memref_slice %arg3[%select_n3A, %add3A_128, %select_n3A_35, %dma_start3A_132] : memref<4x7813x8x128xf32, #tpu.memory_space<hbm>> -> memref<1x1x1x128xf32, #tpu.memory_space<hbm>>
      %dma_start3A_134 = tpu.memref_squeeze %dma_start3A_133 : memref<1x1x1x128xf32, #tpu.memory_space<hbm>> -> memref<128xf32, #tpu.memory_space<hbm>>
      tpu.enqueue_dma source(%dma_start3A_134 : memref<128xf32, #tpu.memory_space<hbm>>) target(%dma_start3A_131 : memref<128xf32, #tpu.memory_space<vmem_shared>>) target_semaphore(%arg14 : memref<!tpu.dma_semaphore, #tpu.memory_space<semaphore_mem>>)
      %scan3A_135 = arith.constant 1 : i32
      %scan3A_136 = arith.addi %scan3A_115, %scan3A_135 : i32
      %mul3A_137 = arith.constant 1 : i32
      %mul3A_138 = arith.muli %scan3A_136, %mul3A_137 : i32
      %add3A_139 = arith.constant 0 : i32
      %add3A_140 = arith.addi %add3A_139, %mul3A_138 : i32
      %add3A_141 = arith.addi %mul3A_37, %add3A_140 : i32
      %mul3A_142 = arith.constant 128 : i32
      %mul3A_143 = arith.muli %add3A_141, %mul3A_142 : i32
      %dma_start3A_144 = tpu.memref_slice %arg8[%mul3A_143] : memref<1000064xf32, #tpu.memory_space<vmem_shared>> -> memref<128xf32, #tpu.memory_space<vmem_shared>>
      %dma_start3A_145 = arith.constant 0 : i32
      %dma_start3A_146 = tpu.memref_slice %arg3[%select_n3A, %add3A_141, %select_n3A_35, %dma_start3A_145] : memref<4x7813x8x128xf32, #tpu.memory_space<hbm>> -> memref<1x1x1x128xf32, #tpu.memory_space<hbm>>
      %dma_start3A_147 = tpu.memref_squeeze %dma_start3A_146 : memref<1x1x1x128xf32, #tpu.memory_space<hbm>> -> memref<128xf32, #tpu.memory_space<hbm>>
      tpu.enqueue_dma source(%dma_start3A_147 : memref<128xf32, #tpu.memory_space<hbm>>) target(%dma_start3A_144 : memref<128xf32, #tpu.memory_space<vmem_shared>>) target_semaphore(%arg13 : memref<!tpu.dma_semaphore, #tpu.memory_space<semaphore_mem>>)
      %add3A_148 = arith.constant 244 : i32
      %add3A_149 = arith.addi %mul3A_37, %add3A_148 : i32
      %add3A_150 = arith.addi %add3A_149, %add3A_140 : i32
      %mul3A_151 = arith.constant 128 : i32
      %mul3A_152 = arith.muli %add3A_150, %mul3A_151 : i32
      %dma_start3A_153 = tpu.memref_slice %arg8[%mul3A_152] : memref<1000064xf32, #tpu.memory_space<vmem_shared>> -> memref<128xf32, #tpu.memory_space<vmem_shared>>
      %dma_start3A_154 = arith.constant 0 : i32
      %dma_start3A_155 = tpu.memref_slice %arg3[%select_n3A, %add3A_150, %select_n3A_35, %dma_start3A_154] : memref<4x7813x8x128xf32, #tpu.memory_space<hbm>> -> memref<1x1x1x128xf32, #tpu.memory_space<hbm>>
      %dma_start3A_156 = tpu.memref_squeeze %dma_start3A_155 : memref<1x1x1x128xf32, #tpu.memory_space<hbm>> -> memref<128xf32, #tpu.memory_space<hbm>>
      tpu.enqueue_dma source(%dma_start3A_156 : memref<128xf32, #tpu.memory_space<hbm>>) target(%dma_start3A_153 : memref<128xf32, #tpu.memory_space<vmem_shared>>) target_semaphore(%arg14 : memref<!tpu.dma_semaphore, #tpu.memory_space<semaphore_mem>>)
      %scan3A_157 = arith.constant 2 : i32
      %scan3A_158 = arith.addi %scan3A_115, %scan3A_157 : i32
      %mul3A_159 = arith.constant 1 : i32
      %mul3A_160 = arith.muli %scan3A_158, %mul3A_159 : i32
      %add3A_161 = arith.constant 0 : i32
      %add3A_162 = arith.addi %add3A_161, %mul3A_160 : i32
      %add3A_163 = arith.addi %mul3A_37, %add3A_162 : i32
      %mul3A_164 = arith.constant 128 : i32
      %mul3A_165 = arith.muli %add3A_163, %mul3A_164 : i32
      %dma_start3A_166 = tpu.memref_slice %arg8[%mul3A_165] : memref<1000064xf32, #tpu.memory_space<vmem_shared>> -> memref<128xf32, #tpu.memory_space<vmem_shared>>
      %dma_start3A_167 = arith.constant 0 : i32
      %dma_start3A_168 = tpu.memref_slice %arg3[%select_n3A, %add3A_163, %select_n3A_35, %dma_start3A_167] : memref<4x7813x8x128xf32, #tpu.memory_space<hbm>> -> memref<1x1x1x128xf32, #tpu.memory_space<hbm>>
      %dma_start3A_169 = tpu.memref_squeeze %dma_start3A_168 : memref<1x1x1x128xf32, #tpu.memory_space<hbm>> -> memref<128xf32, #tpu.memory_space<hbm>>
      tpu.enqueue_dma source(%dma_start3A_169 : memref<128xf32, #tpu.memory_space<hbm>>) target(%dma_start3A_166 : memref<128xf32, #tpu.memory_space<vmem_shared>>) target_semaphore(%arg13 : memref<!tpu.dma_semaphore, #tpu.memory_space<semaphore_mem>>)
      %add3A_170 = arith.constant 244 : i32
      %add3A_171 = arith.addi %mul3A_37, %add3A_170 : i32
      %add3A_172 = arith.addi %add3A_171, %add3A_162 : i32
      %mul3A_173 = arith.constant 128 : i32
      %mul3A_174 = arith.muli %add3A_172, %mul3A_173 : i32
      %dma_start3A_175 = tpu.memref_slice %arg8[%mul3A_174] : memref<1000064xf32, #tpu.memory_space<vmem_shared>> -> memref<128xf32, #tpu.memory_space<vmem_shared>>
      %dma_start3A_176 = arith.constant 0 : i32
      %dma_start3A_177 = tpu.memref_slice %arg3[%select_n3A, %add3A_172, %select_n3A_35, %dma_start3A_176] : memref<4x7813x8x128xf32, #tpu.memory_space<hbm>> -> memref<1x1x1x128xf32, #tpu.memory_space<hbm>>
      %dma_start3A_178 = tpu.memref_squeeze %dma_start3A_177 : memref<1x1x1x128xf32, #tpu.memory_space<hbm>> -> memref<128xf32, #tpu.memory_space<hbm>>
      tpu.enqueue_dma source(%dma_start3A_178 : memref<128xf32, #tpu.memory_space<hbm>>) target(%dma_start3A_175 : memref<128xf32, #tpu.memory_space<vmem_shared>>) target_semaphore(%arg14 : memref<!tpu.dma_semaphore, #tpu.memory_space<semaphore_mem>>)
      %scan3A_179 = arith.constant 3 : i32
      %scan3A_180 = arith.addi %scan3A_115, %scan3A_179 : i32
      %mul3A_181 = arith.constant 1 : i32
      %mul3A_182 = arith.muli %scan3A_180, %mul3A_181 : i32
      %add3A_183 = arith.constant 0 : i32
      %add3A_184 = arith.addi %add3A_183, %mul3A_182 : i32
      %add3A_185 = arith.addi %mul3A_37, %add3A_184 : i32
      %mul3A_186 = arith.constant 128 : i32
      %mul3A_187 = arith.muli %add3A_185, %mul3A_186 : i32
      %dma_start3A_188 = tpu.memref_slice %arg8[%mul3A_187] : memref<1000064xf32, #tpu.memory_space<vmem_shared>> -> memref<128xf32, #tpu.memory_space<vmem_shared>>
      %dma_start3A_189 = arith.constant 0 : i32
      %dma_start3A_190 = tpu.memref_slice %arg3[%select_n3A, %add3A_185, %select_n3A_35, %dma_start3A_189] : memref<4x7813x8x128xf32, #tpu.memory_space<hbm>> -> memref<1x1x1x128xf32, #tpu.memory_space<hbm>>
      %dma_start3A_191 = tpu.memref_squeeze %dma_start3A_190 : memref<1x1x1x128xf32, #tpu.memory_space<hbm>> -> memref<128xf32, #tpu.memory_space<hbm>>
      tpu.enqueue_dma source(%dma_start3A_191 : memref<128xf32, #tpu.memory_space<hbm>>) target(%dma_start3A_188 : memref<128xf32, #tpu.memory_space<vmem_shared>>) target_semaphore(%arg13 : memref<!tpu.dma_semaphore, #tpu.memory_space<semaphore_mem>>)
      %add3A_192 = arith.constant 244 : i32
      %add3A_193 = arith.addi %mul3A_37, %add3A_192 : i32
      %add3A_194 = arith.addi %add3A_193, %add3A_184 : i32
      %mul3A_195 = arith.constant 128 : i32
      %mul3A_196 = arith.muli %add3A_194, %mul3A_195 : i32
      %dma_start3A_197 = tpu.memref_slice %arg8[%mul3A_196] : memref<1000064xf32, #tpu.memory_space<vmem_shared>> -> memref<128xf32, #tpu.memory_space<vmem_shared>>
      %dma_start3A_198 = arith.constant 0 : i32
      %dma_start3A_199 = tpu.memref_slice %arg3[%select_n3A, %add3A_194, %select_n3A_35, %dma_start3A_198] : memref<4x7813x8x128xf32, #tpu.memory_space<hbm>> -> memref<1x1x1x128xf32, #tpu.memory_space<hbm>>
      %dma_start3A_200 = tpu.memref_squeeze %dma_start3A_199 : memref<1x1x1x128xf32, #tpu.memory_space<hbm>> -> memref<128xf32, #tpu.memory_space<hbm>>
      tpu.enqueue_dma source(%dma_start3A_200 : memref<128xf32, #tpu.memory_space<hbm>>) target(%dma_start3A_197 : memref<128xf32, #tpu.memory_space<vmem_shared>>) target_semaphore(%arg14 : memref<!tpu.dma_semaphore, #tpu.memory_space<semaphore_mem>>)
    }
    %scan3A_42 = arith.constant 244 : i32
    %eq3A_43 = arith.constant 0 : i32
    %eq3A_44 = arith.cmpi eq, %arg1, %eq3A_43 : i32
    %convert_element_type3A = arith.extui %eq3A_44 : i1 to i32
    %cond3A = arith.constant 0 : i32
    %cond3A_45 = arith.cmpi ne, %convert_element_type3A, %cond3A : i32
    scf.if %cond3A_45 {
      %scan3A_115 = arith.constant 0 : i32
      %scan3A_116 = arith.constant 5 : i32
      %scan3A_117 = arith.addi %scan3A_115, %scan3A_116 : i32
      %scan3A_118 = arith.constant 1 : i32
      scf.for %scan3A_120 = %scan3A_115 to %scan3A_117 step %scan3A_118  : i32 {
        %mul3A_121 = arith.constant 1 : i32
        %mul3A_122 = arith.muli %scan3A_120, %mul3A_121 : i32
        %add3A_123 = arith.constant 0 : i32
        %add3A_124 = arith.addi %add3A_123, %mul3A_122 : i32
        %add3A_125 = arith.constant 7808 : i32
        %add3A_126 = arith.addi %add3A_125, %add3A_124 : i32
        %mul3A_127 = arith.constant 128 : i32
        %mul3A_128 = arith.muli %add3A_126, %mul3A_127 : i32
        %dma_start3A = tpu.memref_slice %arg8[%mul3A_128] : memref<1000064xf32, #tpu.memory_space<vmem_shared>> -> memref<128xf32, #tpu.memory_space<vmem_shared>>
        %dma_start3A_129 = arith.constant 0 : i32
        %dma_start3A_130 = tpu.memref_slice %arg3[%select_n3A, %add3A_126, %select_n3A_35, %dma_start3A_129] : memref<4x7813x8x128xf32, #tpu.memory_space<hbm>> -> memref<1x1x1x128xf32, #tpu.memory_space<hbm>>
        %dma_start3A_131 = tpu.memref_squeeze %dma_start3A_130 : memref<1x1x1x128xf32, #tpu.memory_space<hbm>> -> memref<128xf32, #tpu.memory_space<hbm>>
        tpu.enqueue_dma source(%dma_start3A_131 : memref<128xf32, #tpu.memory_space<hbm>>) target(%dma_start3A : memref<128xf32, #tpu.memory_space<vmem_shared>>) target_semaphore(%arg13 : memref<!tpu.dma_semaphore, #tpu.memory_space<semaphore_mem>>)
      }
      %scan3A_119 = arith.constant 5 : i32
    } else {
    }
    %mul3A_46 = arith.constant 488 : i32
    %mul3A_47 = arith.muli %arg1, %mul3A_46 : i32
    %mul3A_48 = arith.constant 128 : i32
    %mul3A_49 = arith.muli %mul3A_47, %mul3A_48 : i32
    %dma_wait3A = tpu.memref_slice %arg8[%mul3A_49] : memref<1000064xf32, #tpu.memory_space<vmem_shared>> -> memref<31232xf32, #tpu.memory_space<vmem_shared>>
    %dma_wait3A_50 = arith.constant 0 : i32
    %dma_wait3A_51 = tpu.memref_slice %arg4[%dma_wait3A_50] : memref<62464xf32, #tpu.memory_space<hbm>> -> memref<31232xf32, #tpu.memory_space<hbm>>
    tpu.wait_dma2 semaphore(%arg13 : memref<!tpu.dma_semaphore, #tpu.memory_space<semaphore_mem>>) src(%dma_wait3A_51 : memref<31232xf32, #tpu.memory_space<hbm>>) dst(%dma_wait3A : memref<31232xf32, #tpu.memory_space<vmem_shared>>)
    %mul3A_52 = arith.constant 488 : i32
    %mul3A_53 = arith.muli %arg1, %mul3A_52 : i32
    %mul3A_54 = arith.constant 128 : i32
    %mul3A_55 = arith.muli %mul3A_53, %mul3A_54 : i32
    %add3A_56 = arith.constant 31232 : i32
    %add3A_57 = arith.addi %mul3A_55, %add3A_56 : i32
    %dma_wait3A_58 = tpu.memref_slice %arg8[%add3A_57] : memref<1000064xf32, #tpu.memory_space<vmem_shared>> -> memref<31232xf32, #tpu.memory_space<vmem_shared>>
    %dma_wait3A_59 = arith.constant 0 : i32
    %dma_wait3A_60 = tpu.memref_slice %arg4[%dma_wait3A_59] : memref<62464xf32, #tpu.memory_space<hbm>> -> memref<31232xf32, #tpu.memory_space<hbm>>
    tpu.wait_dma2 semaphore(%arg14 : memref<!tpu.dma_semaphore, #tpu.memory_space<semaphore_mem>>) src(%dma_wait3A_60 : memref<31232xf32, #tpu.memory_space<hbm>>) dst(%dma_wait3A_58 : memref<31232xf32, #tpu.memory_space<vmem_shared>>)
    %eq3A_61 = arith.constant 0 : i32
    %eq3A_62 = arith.cmpi eq, %arg1, %eq3A_61 : i32
    %convert_element_type3A_63 = arith.extui %eq3A_62 : i1 to i32
    %cond3A_64 = arith.constant 0 : i32
    %cond3A_65 = arith.cmpi ne, %convert_element_type3A_63, %cond3A_64 : i32
    scf.if %cond3A_65 {
      %dma_wait3A_115 = arith.constant 999424 : i32
      %dma_wait3A_116 = tpu.memref_slice %arg8[%dma_wait3A_115] : memref<1000064xf32, #tpu.memory_space<vmem_shared>> -> memref<640xf32, #tpu.memory_space<vmem_shared>>
      %dma_wait3A_117 = arith.constant 0 : i32
      %dma_wait3A_118 = tpu.memref_slice %arg4[%dma_wait3A_117] : memref<62464xf32, #tpu.memory_space<hbm>> -> memref<640xf32, #tpu.memory_space<hbm>>
      tpu.wait_dma2 semaphore(%arg13 : memref<!tpu.dma_semaphore, #tpu.memory_space<semaphore_mem>>) src(%dma_wait3A_118 : memref<640xf32, #tpu.memory_space<hbm>>) dst(%dma_wait3A_116 : memref<640xf32, #tpu.memory_space<vmem_shared>>)
    } else {
    }
    %barrier3A = arith.constant 0 : index
    tpu.barrier barrier_id(%barrier3A)
    %scan3A_66 = arith.constant 0 : i32
    %scan3A_67 = arith.constant 16 : i32
    %scan3A_68 = arith.addi %scan3A_66, %scan3A_67 : i32
    %scan3A_69 = arith.constant 1 : i32
    scf.for %scan3A_115 = %scan3A_66 to %scan3A_68 step %scan3A_69  : i32 {
      %mul3A_116 = arith.constant 1 : i32
      %mul3A_117 = arith.muli %scan3A_115, %mul3A_116 : i32
      %add3A_118 = arith.constant 0 : i32
      %add3A_119 = arith.addi %add3A_118, %mul3A_117 : i32
      %ge3A = arith.constant 1 : i32
      %ge3A_120 = arith.cmpi sge, %add3A_119, %ge3A : i32
      %convert_element_type3A_121 = arith.extui %ge3A_120 : i1 to i32
      %cond3A_122 = arith.constant 0 : i32
      %cond3A_123 = arith.cmpi ne, %convert_element_type3A_121, %cond3A_122 : i32
      scf.if %cond3A_123 {
        %sub3A_279 = arith.constant 1 : i32
        %sub3A_280 = arith.subi %add3A_119, %sub3A_279 : i32
        %dma_wait3A_281 = arith.constant 0 : i32
        %dma_wait3A_282 = arith.constant 0 : i32
        %dma_wait3A_283 = arith.constant 0 : i32
        %dma_wait3A_284 = arith.constant 0 : i32
        %dma_wait3A_285 = arith.constant 0 : i32
        %dma_wait3A_286 = tpu.memref_slice %arg7[%dma_wait3A_282, %dma_wait3A_283, %dma_wait3A_284, %dma_wait3A_285] : memref<2x13x8x128xf32, #tpu.memory_space<vmem>> -> memref<1x13x8x128xf32, #tpu.memory_space<vmem>>
        %dma_wait3A_287 = tpu.memref_squeeze %dma_wait3A_286 : memref<1x13x8x128xf32, #tpu.memory_space<vmem>> -> memref<13x8x128xf32, #tpu.memory_space<vmem>>
        %dma_wait3A_288 = arith.constant 0 : i32
        %dma_wait3A_289 = arith.constant 0 : i32
        %dma_wait3A_290 = arith.constant 0 : i32
        %dma_wait3A_291 = tpu.memref_slice %arg3[%dma_wait3A_281, %dma_wait3A_288, %dma_wait3A_289, %dma_wait3A_290] : memref<4x7813x8x128xf32, #tpu.memory_space<hbm>> -> memref<1x13x8x128xf32, #tpu.memory_space<hbm>>
        %dma_wait3A_292 = tpu.memref_squeeze %dma_wait3A_291 : memref<1x13x8x128xf32, #tpu.memory_space<hbm>> -> memref<13x8x128xf32, #tpu.memory_space<hbm>>
        %dma_wait3A_293 = arith.constant 0 : i32
        %dma_wait3A_294 = arith.constant 0 : i32
        %dma_wait3A_295 = arith.constant 0 : i32
        %dma_wait3A_296 = tpu.memref_slice %arg7[%dma_wait3A_282, %dma_wait3A_293, %dma_wait3A_294, %dma_wait3A_295] : memref<2x13x8x128xf32, #tpu.memory_space<vmem>> -> memref<1x13x8x128xf32, #tpu.memory_space<vmem>>
        %dma_wait3A_297 = tpu.memref_squeeze %dma_wait3A_296 : memref<1x13x8x128xf32, #tpu.memory_space<vmem>> -> memref<13x8x128xf32, #tpu.memory_space<vmem>>
        %dma_wait3A_298 = arith.constant 0 : i32
        %dma_wait3A_299 = arith.constant 0 : i32
        %dma_wait3A_300 = arith.constant 0 : i32
        %dma_wait3A_301 = tpu.memref_slice %arg3[%dma_wait3A_281, %dma_wait3A_298, %dma_wait3A_299, %dma_wait3A_300] : memref<4x7813x8x128xf32, #tpu.memory_space<hbm>> -> memref<1x13x8x128xf32, #tpu.memory_space<hbm>>
        %dma_wait3A_302 = tpu.memref_squeeze %dma_wait3A_301 : memref<1x13x8x128xf32, #tpu.memory_space<hbm>> -> memref<13x8x128xf32, #tpu.memory_space<hbm>>
        tpu.wait_dma2 semaphore(%arg11 : memref<!tpu.dma_semaphore, #tpu.memory_space<semaphore_mem>>) src(%dma_wait3A_302 : memref<13x8x128xf32, #tpu.memory_space<hbm>>) dst(%dma_wait3A_297 : memref<13x8x128xf32, #tpu.memory_space<vmem>>)
        %sub3A_303 = arith.constant 1 : i32
        %sub3A_304 = arith.subi %add3A_119, %sub3A_303 : i32
        %dma_wait3A_305 = arith.constant 0 : i32
        %dma_wait3A_306 = arith.constant 1 : i32
        %dma_wait3A_307 = arith.constant 0 : i32
        %dma_wait3A_308 = arith.constant 0 : i32
        %dma_wait3A_309 = arith.constant 0 : i32
        %dma_wait3A_310 = tpu.memref_slice %arg7[%dma_wait3A_306, %dma_wait3A_307, %dma_wait3A_308, %dma_wait3A_309] : memref<2x13x8x128xf32, #tpu.memory_space<vmem>> -> memref<1x13x8x128xf32, #tpu.memory_space<vmem>>
        %dma_wait3A_311 = tpu.memref_squeeze %dma_wait3A_310 : memref<1x13x8x128xf32, #tpu.memory_space<vmem>> -> memref<13x8x128xf32, #tpu.memory_space<vmem>>
        %dma_wait3A_312 = arith.constant 0 : i32
        %dma_wait3A_313 = arith.constant 0 : i32
        %dma_wait3A_314 = arith.constant 0 : i32
        %dma_wait3A_315 = tpu.memref_slice %arg3[%dma_wait3A_305, %dma_wait3A_312, %dma_wait3A_313, %dma_wait3A_314] : memref<4x7813x8x128xf32, #tpu.memory_space<hbm>> -> memref<1x13x8x128xf32, #tpu.memory_space<hbm>>
        %dma_wait3A_316 = tpu.memref_squeeze %dma_wait3A_315 : memref<1x13x8x128xf32, #tpu.memory_space<hbm>> -> memref<13x8x128xf32, #tpu.memory_space<hbm>>
        %dma_wait3A_317 = arith.constant 0 : i32
        %dma_wait3A_318 = arith.constant 0 : i32
        %dma_wait3A_319 = arith.constant 0 : i32
        %dma_wait3A_320 = tpu.memref_slice %arg7[%dma_wait3A_306, %dma_wait3A_317, %dma_wait3A_318, %dma_wait3A_319] : memref<2x13x8x128xf32, #tpu.memory_space<vmem>> -> memref<1x13x8x128xf32, #tpu.memory_space<vmem>>
        %dma_wait3A_321 = tpu.memref_squeeze %dma_wait3A_320 : memref<1x13x8x128xf32, #tpu.memory_space<vmem>> -> memref<13x8x128xf32, #tpu.memory_space<vmem>>
        %dma_wait3A_322 = arith.constant 0 : i32
        %dma_wait3A_323 = arith.constant 0 : i32
        %dma_wait3A_324 = arith.constant 0 : i32
        %dma_wait3A_325 = tpu.memref_slice %arg3[%dma_wait3A_305, %dma_wait3A_322, %dma_wait3A_323, %dma_wait3A_324] : memref<4x7813x8x128xf32, #tpu.memory_space<hbm>> -> memref<1x13x8x128xf32, #tpu.memory_space<hbm>>
        %dma_wait3A_326 = tpu.memref_squeeze %dma_wait3A_325 : memref<1x13x8x128xf32, #tpu.memory_space<hbm>> -> memref<13x8x128xf32, #tpu.memory_space<hbm>>
        tpu.wait_dma2 semaphore(%arg12 : memref<!tpu.dma_semaphore, #tpu.memory_space<semaphore_mem>>) src(%dma_wait3A_326 : memref<13x8x128xf32, #tpu.memory_space<hbm>>) dst(%dma_wait3A_321 : memref<13x8x128xf32, #tpu.memory_space<vmem>>)
      } else {
      }
      %scan3A_124 = arith.constant 0 : i32
      %scan3A_125 = arith.constant 13 : i32
      %scan3A_126 = arith.addi %scan3A_124, %scan3A_125 : i32
      %scan3A_127 = arith.constant 1 : i32
      scf.for %scan3A_279 = %scan3A_124 to %scan3A_126 step %scan3A_127  : i32 {
        %mul3A_280 = arith.constant 1 : i32
        %mul3A_281 = arith.muli %scan3A_279, %mul3A_280 : i32
        %add3A_282 = arith.constant 0 : i32
        %add3A_283 = arith.addi %add3A_282, %mul3A_281 : i32
        %add3A_284 = arith.constant 0 : i32
        %add3A_285 = arith.addi %add3A_284, %add3A_283 : i32
        %dma_start3A = arith.constant 0 : i32
        %dma_start3A_286 = arith.constant 0 : i32
        %dma_start3A_287 = arith.constant 0 : i32
        %dma_start3A_288 = tpu.memref_slice %arg7[%dma_start3A, %add3A_283, %dma_start3A_286, %dma_start3A_287] : memref<2x13x8x128xf32, #tpu.memory_space<vmem>> -> memref<1x1x1x128xf32, #tpu.memory_space<vmem>>
        %dma_start3A_289 = tpu.memref_squeeze %dma_start3A_288 : memref<1x1x1x128xf32, #tpu.memory_space<vmem>> -> memref<128xf32, #tpu.memory_space<vmem>>
        %dma_start3A_290 = arith.constant 0 : i32
        %dma_start3A_291 = tpu.memref_slice %arg6[%add3A_285, %dma_start3A_290] : memref<26x1024xi32, #tpu.memory_space<vmem>> -> memref<1x128xi32, #tpu.memory_space<vmem>>
        %dma_start3A_292 = tpu.memref_squeeze %dma_start3A_291 : memref<1x128xi32, #tpu.memory_space<vmem>> -> memref<128xi32, #tpu.memory_space<vmem>>
        %dma_start3A_293 = arith.constant 0 : i32
        %dma_start3A_294 = tpu.memref_slice %arg8[%dma_start3A_293] : memref<1000064xf32, #tpu.memory_space<vmem_shared>> -> memref<1000064xf32, #tpu.memory_space<vmem_shared>>
        tpu.enqueue_indirect_dma source(%dma_start3A_294 : memref<1000064xf32, #tpu.memory_space<vmem_shared>>) target(%dma_start3A_289 : memref<128xf32, #tpu.memory_space<vmem>>) offsets(%dma_start3A_292 : memref<128xi32, #tpu.memory_space<vmem>>) semaphore(%arg9 : memref<!tpu.dma_semaphore, #tpu.memory_space<semaphore_mem>>)
        %add3A_295 = arith.constant 0 : i32
        %add3A_296 = arith.addi %add3A_295, %add3A_283 : i32
        %dma_start3A_297 = arith.constant 0 : i32
        %dma_start3A_298 = arith.constant 1 : i32
        %dma_start3A_299 = arith.constant 0 : i32
        %dma_start3A_300 = tpu.memref_slice %arg7[%dma_start3A_297, %add3A_283, %dma_start3A_298, %dma_start3A_299] : memref<2x13x8x128xf32, #tpu.memory_space<vmem>> -> memref<1x1x1x128xf32, #tpu.memory_space<vmem>>
        %dma_start3A_301 = tpu.memref_squeeze %dma_start3A_300 : memref<1x1x1x128xf32, #tpu.memory_space<vmem>> -> memref<128xf32, #tpu.memory_space<vmem>>
        %dma_start3A_302 = arith.constant 128 : i32
        %dma_start3A_303 = tpu.memref_slice %arg6[%add3A_296, %dma_start3A_302] : memref<26x1024xi32, #tpu.memory_space<vmem>> -> memref<1x128xi32, #tpu.memory_space<vmem>>
        %dma_start3A_304 = tpu.memref_squeeze %dma_start3A_303 : memref<1x128xi32, #tpu.memory_space<vmem>> -> memref<128xi32, #tpu.memory_space<vmem>>
        %dma_start3A_305 = arith.constant 0 : i32
        %dma_start3A_306 = tpu.memref_slice %arg8[%dma_start3A_305] : memref<1000064xf32, #tpu.memory_space<vmem_shared>> -> memref<1000064xf32, #tpu.memory_space<vmem_shared>>
        tpu.enqueue_indirect_dma source(%dma_start3A_306 : memref<1000064xf32, #tpu.memory_space<vmem_shared>>) target(%dma_start3A_301 : memref<128xf32, #tpu.memory_space<vmem>>) offsets(%dma_start3A_304 : memref<128xi32, #tpu.memory_space<vmem>>) semaphore(%arg9 : memref<!tpu.dma_semaphore, #tpu.memory_space<semaphore_mem>>)
        %add3A_307 = arith.constant 0 : i32
        %add3A_308 = arith.addi %add3A_307, %add3A_283 : i32
        %dma_start3A_309 = arith.constant 0 : i32
        %dma_start3A_310 = arith.constant 2 : i32
        %dma_start3A_311 = arith.constant 0 : i32
        %dma_start3A_312 = tpu.memref_slice %arg7[%dma_start3A_309, %add3A_283, %dma_start3A_310, %dma_start3A_311] : memref<2x13x8x128xf32, #tpu.memory_space<vmem>> -> memref<1x1x1x128xf32, #tpu.memory_space<vmem>>
        %dma_start3A_313 = tpu.memref_squeeze %dma_start3A_312 : memref<1x1x1x128xf32, #tpu.memory_space<vmem>> -> memref<128xf32, #tpu.memory_space<vmem>>
        %dma_start3A_314 = arith.constant 256 : i32
        %dma_start3A_315 = tpu.memref_slice %arg6[%add3A_308, %dma_start3A_314] : memref<26x1024xi32, #tpu.memory_space<vmem>> -> memref<1x128xi32, #tpu.memory_space<vmem>>
        %dma_start3A_316 = tpu.memref_squeeze %dma_start3A_315 : memref<1x128xi32, #tpu.memory_space<vmem>> -> memref<128xi32, #tpu.memory_space<vmem>>
        %dma_start3A_317 = arith.constant 0 : i32
        %dma_start3A_318 = tpu.memref_slice %arg8[%dma_start3A_317] : memref<1000064xf32, #tpu.memory_space<vmem_shared>> -> memref<1000064xf32, #tpu.memory_space<vmem_shared>>
        tpu.enqueue_indirect_dma source(%dma_start3A_318 : memref<1000064xf32, #tpu.memory_space<vmem_shared>>) target(%dma_start3A_313 : memref<128xf32, #tpu.memory_space<vmem>>) offsets(%dma_start3A_316 : memref<128xi32, #tpu.memory_space<vmem>>) semaphore(%arg9 : memref<!tpu.dma_semaphore, #tpu.memory_space<semaphore_mem>>)
        %add3A_319 = arith.constant 0 : i32
        %add3A_320 = arith.addi %add3A_319, %add3A_283 : i32
        %dma_start3A_321 = arith.constant 0 : i32
        %dma_start3A_322 = arith.constant 3 : i32
        %dma_start3A_323 = arith.constant 0 : i32
        %dma_start3A_324 = tpu.memref_slice %arg7[%dma_start3A_321, %add3A_283, %dma_start3A_322, %dma_start3A_323] : memref<2x13x8x128xf32, #tpu.memory_space<vmem>> -> memref<1x1x1x128xf32, #tpu.memory_space<vmem>>
        %dma_start3A_325 = tpu.memref_squeeze %dma_start3A_324 : memref<1x1x1x128xf32, #tpu.memory_space<vmem>> -> memref<128xf32, #tpu.memory_space<vmem>>
        %dma_start3A_326 = arith.constant 384 : i32
        %dma_start3A_327 = tpu.memref_slice %arg6[%add3A_320, %dma_start3A_326] : memref<26x1024xi32, #tpu.memory_space<vmem>> -> memref<1x128xi32, #tpu.memory_space<vmem>>
        %dma_start3A_328 = tpu.memref_squeeze %dma_start3A_327 : memref<1x128xi32, #tpu.memory_space<vmem>> -> memref<128xi32, #tpu.memory_space<vmem>>
        %dma_start3A_329 = arith.constant 0 : i32
        %dma_start3A_330 = tpu.memref_slice %arg8[%dma_start3A_329] : memref<1000064xf32, #tpu.memory_space<vmem_shared>> -> memref<1000064xf32, #tpu.memory_space<vmem_shared>>
        tpu.enqueue_indirect_dma source(%dma_start3A_330 : memref<1000064xf32, #tpu.memory_space<vmem_shared>>) target(%dma_start3A_325 : memref<128xf32, #tpu.memory_space<vmem>>) offsets(%dma_start3A_328 : memref<128xi32, #tpu.memory_space<vmem>>) semaphore(%arg9 : memref<!tpu.dma_semaphore, #tpu.memory_space<semaphore_mem>>)
        %add3A_331 = arith.constant 0 : i32
        %add3A_332 = arith.addi %add3A_331, %add3A_283 : i32
        %dma_start3A_333 = arith.constant 0 : i32
        %dma_start3A_334 = arith.constant 4 : i32
        %dma_start3A_335 = arith.constant 0 : i32
        %dma_start3A_336 = tpu.memref_slice %arg7[%dma_start3A_333, %add3A_283, %dma_start3A_334, %dma_start3A_335] : memref<2x13x8x128xf32, #tpu.memory_space<vmem>> -> memref<1x1x1x128xf32, #tpu.memory_space<vmem>>
        %dma_start3A_337 = tpu.memref_squeeze %dma_start3A_336 : memref<1x1x1x128xf32, #tpu.memory_space<vmem>> -> memref<128xf32, #tpu.memory_space<vmem>>
        %dma_start3A_338 = arith.constant 512 : i32
        %dma_start3A_339 = tpu.memref_slice %arg6[%add3A_332, %dma_start3A_338] : memref<26x1024xi32, #tpu.memory_space<vmem>> -> memref<1x128xi32, #tpu.memory_space<vmem>>
        %dma_start3A_340 = tpu.memref_squeeze %dma_start3A_339 : memref<1x128xi32, #tpu.memory_space<vmem>> -> memref<128xi32, #tpu.memory_space<vmem>>
        %dma_start3A_341 = arith.constant 0 : i32
        %dma_start3A_342 = tpu.memref_slice %arg8[%dma_start3A_341] : memref<1000064xf32, #tpu.memory_space<vmem_shared>> -> memref<1000064xf32, #tpu.memory_space<vmem_shared>>
        tpu.enqueue_indirect_dma source(%dma_start3A_342 : memref<1000064xf32, #tpu.memory_space<vmem_shared>>) target(%dma_start3A_337 : memref<128xf32, #tpu.memory_space<vmem>>) offsets(%dma_start3A_340 : memref<128xi32, #tpu.memory_space<vmem>>) semaphore(%arg9 : memref<!tpu.dma_semaphore, #tpu.memory_space<semaphore_mem>>)
        %add3A_343 = arith.constant 0 : i32
        %add3A_344 = arith.addi %add3A_343, %add3A_283 : i32
        %dma_start3A_345 = arith.constant 0 : i32
        %dma_start3A_346 = arith.constant 5 : i32
        %dma_start3A_347 = arith.constant 0 : i32
        %dma_start3A_348 = tpu.memref_slice %arg7[%dma_start3A_345, %add3A_283, %dma_start3A_346, %dma_start3A_347] : memref<2x13x8x128xf32, #tpu.memory_space<vmem>> -> memref<1x1x1x128xf32, #tpu.memory_space<vmem>>
        %dma_start3A_349 = tpu.memref_squeeze %dma_start3A_348 : memref<1x1x1x128xf32, #tpu.memory_space<vmem>> -> memref<128xf32, #tpu.memory_space<vmem>>
        %dma_start3A_350 = arith.constant 640 : i32
        %dma_start3A_351 = tpu.memref_slice %arg6[%add3A_344, %dma_start3A_350] : memref<26x1024xi32, #tpu.memory_space<vmem>> -> memref<1x128xi32, #tpu.memory_space<vmem>>
        %dma_start3A_352 = tpu.memref_squeeze %dma_start3A_351 : memref<1x128xi32, #tpu.memory_space<vmem>> -> memref<128xi32, #tpu.memory_space<vmem>>
        %dma_start3A_353 = arith.constant 0 : i32
        %dma_start3A_354 = tpu.memref_slice %arg8[%dma_start3A_353] : memref<1000064xf32, #tpu.memory_space<vmem_shared>> -> memref<1000064xf32, #tpu.memory_space<vmem_shared>>
        tpu.enqueue_indirect_dma source(%dma_start3A_354 : memref<1000064xf32, #tpu.memory_space<vmem_shared>>) target(%dma_start3A_349 : memref<128xf32, #tpu.memory_space<vmem>>) offsets(%dma_start3A_352 : memref<128xi32, #tpu.memory_space<vmem>>) semaphore(%arg9 : memref<!tpu.dma_semaphore, #tpu.memory_space<semaphore_mem>>)
        %add3A_355 = arith.constant 0 : i32
        %add3A_356 = arith.addi %add3A_355, %add3A_283 : i32
        %dma_start3A_357 = arith.constant 0 : i32
        %dma_start3A_358 = arith.constant 6 : i32
        %dma_start3A_359 = arith.constant 0 : i32
        %dma_start3A_360 = tpu.memref_slice %arg7[%dma_start3A_357, %add3A_283, %dma_start3A_358, %dma_start3A_359] : memref<2x13x8x128xf32, #tpu.memory_space<vmem>> -> memref<1x1x1x128xf32, #tpu.memory_space<vmem>>
        %dma_start3A_361 = tpu.memref_squeeze %dma_start3A_360 : memref<1x1x1x128xf32, #tpu.memory_space<vmem>> -> memref<128xf32, #tpu.memory_space<vmem>>
        %dma_start3A_362 = arith.constant 768 : i32
        %dma_start3A_363 = tpu.memref_slice %arg6[%add3A_356, %dma_start3A_362] : memref<26x1024xi32, #tpu.memory_space<vmem>> -> memref<1x128xi32, #tpu.memory_space<vmem>>
        %dma_start3A_364 = tpu.memref_squeeze %dma_start3A_363 : memref<1x128xi32, #tpu.memory_space<vmem>> -> memref<128xi32, #tpu.memory_space<vmem>>
        %dma_start3A_365 = arith.constant 0 : i32
        %dma_start3A_366 = tpu.memref_slice %arg8[%dma_start3A_365] : memref<1000064xf32, #tpu.memory_space<vmem_shared>> -> memref<1000064xf32, #tpu.memory_space<vmem_shared>>
        tpu.enqueue_indirect_dma source(%dma_start3A_366 : memref<1000064xf32, #tpu.memory_space<vmem_shared>>) target(%dma_start3A_361 : memref<128xf32, #tpu.memory_space<vmem>>) offsets(%dma_start3A_364 : memref<128xi32, #tpu.memory_space<vmem>>) semaphore(%arg9 : memref<!tpu.dma_semaphore, #tpu.memory_space<semaphore_mem>>)
        %add3A_367 = arith.constant 0 : i32
        %add3A_368 = arith.addi %add3A_367, %add3A_283 : i32
        %dma_start3A_369 = arith.constant 0 : i32
        %dma_start3A_370 = arith.constant 7 : i32
        %dma_start3A_371 = arith.constant 0 : i32
        %dma_start3A_372 = tpu.memref_slice %arg7[%dma_start3A_369, %add3A_283, %dma_start3A_370, %dma_start3A_371] : memref<2x13x8x128xf32, #tpu.memory_space<vmem>> -> memref<1x1x1x128xf32, #tpu.memory_space<vmem>>
        %dma_start3A_373 = tpu.memref_squeeze %dma_start3A_372 : memref<1x1x1x128xf32, #tpu.memory_space<vmem>> -> memref<128xf32, #tpu.memory_space<vmem>>
        %dma_start3A_374 = arith.constant 896 : i32
        %dma_start3A_375 = tpu.memref_slice %arg6[%add3A_368, %dma_start3A_374] : memref<26x1024xi32, #tpu.memory_space<vmem>> -> memref<1x128xi32, #tpu.memory_space<vmem>>
        %dma_start3A_376 = tpu.memref_squeeze %dma_start3A_375 : memref<1x128xi32, #tpu.memory_space<vmem>> -> memref<128xi32, #tpu.memory_space<vmem>>
        %dma_start3A_377 = arith.constant 0 : i32
        %dma_start3A_378 = tpu.memref_slice %arg8[%dma_start3A_377] : memref<1000064xf32, #tpu.memory_space<vmem_shared>> -> memref<1000064xf32, #tpu.memory_space<vmem_shared>>
        tpu.enqueue_indirect_dma source(%dma_start3A_378 : memref<1000064xf32, #tpu.memory_space<vmem_shared>>) target(%dma_start3A_373 : memref<128xf32, #tpu.memory_space<vmem>>) offsets(%dma_start3A_376 : memref<128xi32, #tpu.memory_space<vmem>>) semaphore(%arg9 : memref<!tpu.dma_semaphore, #tpu.memory_space<semaphore_mem>>)
      }
      %scan3A_128 = arith.constant 13 : i32
      %scan3A_129 = arith.constant 0 : i32
      %scan3A_130 = arith.constant 13 : i32
      %scan3A_131 = arith.addi %scan3A_129, %scan3A_130 : i32
      %scan3A_132 = arith.constant 1 : i32
      scf.for %scan3A_279 = %scan3A_129 to %scan3A_131 step %scan3A_132  : i32 {
        %mul3A_280 = arith.constant 1 : i32
        %mul3A_281 = arith.muli %scan3A_279, %mul3A_280 : i32
        %add3A_282 = arith.constant 0 : i32
        %add3A_283 = arith.addi %add3A_282, %mul3A_281 : i32
        %add3A_284 = arith.constant 13 : i32
        %add3A_285 = arith.addi %add3A_284, %add3A_283 : i32
        %dma_start3A = arith.constant 1 : i32
        %dma_start3A_286 = arith.constant 0 : i32
        %dma_start3A_287 = arith.constant 0 : i32
        %dma_start3A_288 = tpu.memref_slice %arg7[%dma_start3A, %add3A_283, %dma_start3A_286, %dma_start3A_287] : memref<2x13x8x128xf32, #tpu.memory_space<vmem>> -> memref<1x1x1x128xf32, #tpu.memory_space<vmem>>
        %dma_start3A_289 = tpu.memref_squeeze %dma_start3A_288 : memref<1x1x1x128xf32, #tpu.memory_space<vmem>> -> memref<128xf32, #tpu.memory_space<vmem>>
        %dma_start3A_290 = arith.constant 0 : i32
        %dma_start3A_291 = tpu.memref_slice %arg6[%add3A_285, %dma_start3A_290] : memref<26x1024xi32, #tpu.memory_space<vmem>> -> memref<1x128xi32, #tpu.memory_space<vmem>>
        %dma_start3A_292 = tpu.memref_squeeze %dma_start3A_291 : memref<1x128xi32, #tpu.memory_space<vmem>> -> memref<128xi32, #tpu.memory_space<vmem>>
        %dma_start3A_293 = arith.constant 0 : i32
        %dma_start3A_294 = tpu.memref_slice %arg8[%dma_start3A_293] : memref<1000064xf32, #tpu.memory_space<vmem_shared>> -> memref<1000064xf32, #tpu.memory_space<vmem_shared>>
        tpu.enqueue_indirect_dma source(%dma_start3A_294 : memref<1000064xf32, #tpu.memory_space<vmem_shared>>) target(%dma_start3A_289 : memref<128xf32, #tpu.memory_space<vmem>>) offsets(%dma_start3A_292 : memref<128xi32, #tpu.memory_space<vmem>>) semaphore(%arg10 : memref<!tpu.dma_semaphore, #tpu.memory_space<semaphore_mem>>)
        %add3A_295 = arith.constant 13 : i32
        %add3A_296 = arith.addi %add3A_295, %add3A_283 : i32
        %dma_start3A_297 = arith.constant 1 : i32
        %dma_start3A_298 = arith.constant 1 : i32
        %dma_start3A_299 = arith.constant 0 : i32
        %dma_start3A_300 = tpu.memref_slice %arg7[%dma_start3A_297, %add3A_283, %dma_start3A_298, %dma_start3A_299] : memref<2x13x8x128xf32, #tpu.memory_space<vmem>> -> memref<1x1x1x128xf32, #tpu.memory_space<vmem>>
        %dma_start3A_301 = tpu.memref_squeeze %dma_start3A_300 : memref<1x1x1x128xf32, #tpu.memory_space<vmem>> -> memref<128xf32, #tpu.memory_space<vmem>>
        %dma_start3A_302 = arith.constant 128 : i32
        %dma_start3A_303 = tpu.memref_slice %arg6[%add3A_296, %dma_start3A_302] : memref<26x1024xi32, #tpu.memory_space<vmem>> -> memref<1x128xi32, #tpu.memory_space<vmem>>
        %dma_start3A_304 = tpu.memref_squeeze %dma_start3A_303 : memref<1x128xi32, #tpu.memory_space<vmem>> -> memref<128xi32, #tpu.memory_space<vmem>>
        %dma_start3A_305 = arith.constant 0 : i32
        %dma_start3A_306 = tpu.memref_slice %arg8[%dma_start3A_305] : memref<1000064xf32, #tpu.memory_space<vmem_shared>> -> memref<1000064xf32, #tpu.memory_space<vmem_shared>>
        tpu.enqueue_indirect_dma source(%dma_start3A_306 : memref<1000064xf32, #tpu.memory_space<vmem_shared>>) target(%dma_start3A_301 : memref<128xf32, #tpu.memory_space<vmem>>) offsets(%dma_start3A_304 : memref<128xi32, #tpu.memory_space<vmem>>) semaphore(%arg10 : memref<!tpu.dma_semaphore, #tpu.memory_space<semaphore_mem>>)
        %add3A_307 = arith.constant 13 : i32
        %add3A_308 = arith.addi %add3A_307, %add3A_283 : i32
        %dma_start3A_309 = arith.constant 1 : i32
        %dma_start3A_310 = arith.constant 2 : i32
        %dma_start3A_311 = arith.constant 0 : i32
        %dma_start3A_312 = tpu.memref_slice %arg7[%dma_start3A_309, %add3A_283, %dma_start3A_310, %dma_start3A_311] : memref<2x13x8x128xf32, #tpu.memory_space<vmem>> -> memref<1x1x1x128xf32, #tpu.memory_space<vmem>>
        %dma_start3A_313 = tpu.memref_squeeze %dma_start3A_312 : memref<1x1x1x128xf32, #tpu.memory_space<vmem>> -> memref<128xf32, #tpu.memory_space<vmem>>
        %dma_start3A_314 = arith.constant 256 : i32
        %dma_start3A_315 = tpu.memref_slice %arg6[%add3A_308, %dma_start3A_314] : memref<26x1024xi32, #tpu.memory_space<vmem>> -> memref<1x128xi32, #tpu.memory_space<vmem>>
        %dma_start3A_316 = tpu.memref_squeeze %dma_start3A_315 : memref<1x128xi32, #tpu.memory_space<vmem>> -> memref<128xi32, #tpu.memory_space<vmem>>
        %dma_start3A_317 = arith.constant 0 : i32
        %dma_start3A_318 = tpu.memref_slice %arg8[%dma_start3A_317] : memref<1000064xf32, #tpu.memory_space<vmem_shared>> -> memref<1000064xf32, #tpu.memory_space<vmem_shared>>
        tpu.enqueue_indirect_dma source(%dma_start3A_318 : memref<1000064xf32, #tpu.memory_space<vmem_shared>>) target(%dma_start3A_313 : memref<128xf32, #tpu.memory_space<vmem>>) offsets(%dma_start3A_316 : memref<128xi32, #tpu.memory_space<vmem>>) semaphore(%arg10 : memref<!tpu.dma_semaphore, #tpu.memory_space<semaphore_mem>>)
        %add3A_319 = arith.constant 13 : i32
        %add3A_320 = arith.addi %add3A_319, %add3A_283 : i32
        %dma_start3A_321 = arith.constant 1 : i32
        %dma_start3A_322 = arith.constant 3 : i32
        %dma_start3A_323 = arith.constant 0 : i32
        %dma_start3A_324 = tpu.memref_slice %arg7[%dma_start3A_321, %add3A_283, %dma_start3A_322, %dma_start3A_323] : memref<2x13x8x128xf32, #tpu.memory_space<vmem>> -> memref<1x1x1x128xf32, #tpu.memory_space<vmem>>
        %dma_start3A_325 = tpu.memref_squeeze %dma_start3A_324 : memref<1x1x1x128xf32, #tpu.memory_space<vmem>> -> memref<128xf32, #tpu.memory_space<vmem>>
        %dma_start3A_326 = arith.constant 384 : i32
        %dma_start3A_327 = tpu.memref_slice %arg6[%add3A_320, %dma_start3A_326] : memref<26x1024xi32, #tpu.memory_space<vmem>> -> memref<1x128xi32, #tpu.memory_space<vmem>>
        %dma_start3A_328 = tpu.memref_squeeze %dma_start3A_327 : memref<1x128xi32, #tpu.memory_space<vmem>> -> memref<128xi32, #tpu.memory_space<vmem>>
        %dma_start3A_329 = arith.constant 0 : i32
        %dma_start3A_330 = tpu.memref_slice %arg8[%dma_start3A_329] : memref<1000064xf32, #tpu.memory_space<vmem_shared>> -> memref<1000064xf32, #tpu.memory_space<vmem_shared>>
        tpu.enqueue_indirect_dma source(%dma_start3A_330 : memref<1000064xf32, #tpu.memory_space<vmem_shared>>) target(%dma_start3A_325 : memref<128xf32, #tpu.memory_space<vmem>>) offsets(%dma_start3A_328 : memref<128xi32, #tpu.memory_space<vmem>>) semaphore(%arg10 : memref<!tpu.dma_semaphore, #tpu.memory_space<semaphore_mem>>)
        %add3A_331 = arith.constant 13 : i32
        %add3A_332 = arith.addi %add3A_331, %add3A_283 : i32
        %dma_start3A_333 = arith.constant 1 : i32
        %dma_start3A_334 = arith.constant 4 : i32
        %dma_start3A_335 = arith.constant 0 : i32
        %dma_start3A_336 = tpu.memref_slice %arg7[%dma_start3A_333, %add3A_283, %dma_start3A_334, %dma_start3A_335] : memref<2x13x8x128xf32, #tpu.memory_space<vmem>> -> memref<1x1x1x128xf32, #tpu.memory_space<vmem>>
        %dma_start3A_337 = tpu.memref_squeeze %dma_start3A_336 : memref<1x1x1x128xf32, #tpu.memory_space<vmem>> -> memref<128xf32, #tpu.memory_space<vmem>>
        %dma_start3A_338 = arith.constant 512 : i32
        %dma_start3A_339 = tpu.memref_slice %arg6[%add3A_332, %dma_start3A_338] : memref<26x1024xi32, #tpu.memory_space<vmem>> -> memref<1x128xi32, #tpu.memory_space<vmem>>
        %dma_start3A_340 = tpu.memref_squeeze %dma_start3A_339 : memref<1x128xi32, #tpu.memory_space<vmem>> -> memref<128xi32, #tpu.memory_space<vmem>>
        %dma_start3A_341 = arith.constant 0 : i32
        %dma_start3A_342 = tpu.memref_slice %arg8[%dma_start3A_341] : memref<1000064xf32, #tpu.memory_space<vmem_shared>> -> memref<1000064xf32, #tpu.memory_space<vmem_shared>>
        tpu.enqueue_indirect_dma source(%dma_start3A_342 : memref<1000064xf32, #tpu.memory_space<vmem_shared>>) target(%dma_start3A_337 : memref<128xf32, #tpu.memory_space<vmem>>) offsets(%dma_start3A_340 : memref<128xi32, #tpu.memory_space<vmem>>) semaphore(%arg10 : memref<!tpu.dma_semaphore, #tpu.memory_space<semaphore_mem>>)
        %add3A_343 = arith.constant 13 : i32
        %add3A_344 = arith.addi %add3A_343, %add3A_283 : i32
        %dma_start3A_345 = arith.constant 1 : i32
        %dma_start3A_346 = arith.constant 5 : i32
        %dma_start3A_347 = arith.constant 0 : i32
        %dma_start3A_348 = tpu.memref_slice %arg7[%dma_start3A_345, %add3A_283, %dma_start3A_346, %dma_start3A_347] : memref<2x13x8x128xf32, #tpu.memory_space<vmem>> -> memref<1x1x1x128xf32, #tpu.memory_space<vmem>>
        %dma_start3A_349 = tpu.memref_squeeze %dma_start3A_348 : memref<1x1x1x128xf32, #tpu.memory_space<vmem>> -> memref<128xf32, #tpu.memory_space<vmem>>
        %dma_start3A_350 = arith.constant 640 : i32
        %dma_start3A_351 = tpu.memref_slice %arg6[%add3A_344, %dma_start3A_350] : memref<26x1024xi32, #tpu.memory_space<vmem>> -> memref<1x128xi32, #tpu.memory_space<vmem>>
        %dma_start3A_352 = tpu.memref_squeeze %dma_start3A_351 : memref<1x128xi32, #tpu.memory_space<vmem>> -> memref<128xi32, #tpu.memory_space<vmem>>
        %dma_start3A_353 = arith.constant 0 : i32
        %dma_start3A_354 = tpu.memref_slice %arg8[%dma_start3A_353] : memref<1000064xf32, #tpu.memory_space<vmem_shared>> -> memref<1000064xf32, #tpu.memory_space<vmem_shared>>
        tpu.enqueue_indirect_dma source(%dma_start3A_354 : memref<1000064xf32, #tpu.memory_space<vmem_shared>>) target(%dma_start3A_349 : memref<128xf32, #tpu.memory_space<vmem>>) offsets(%dma_start3A_352 : memref<128xi32, #tpu.memory_space<vmem>>) semaphore(%arg10 : memref<!tpu.dma_semaphore, #tpu.memory_space<semaphore_mem>>)
        %add3A_355 = arith.constant 13 : i32
        %add3A_356 = arith.addi %add3A_355, %add3A_283 : i32
        %dma_start3A_357 = arith.constant 1 : i32
        %dma_start3A_358 = arith.constant 6 : i32
        %dma_start3A_359 = arith.constant 0 : i32
        %dma_start3A_360 = tpu.memref_slice %arg7[%dma_start3A_357, %add3A_283, %dma_start3A_358, %dma_start3A_359] : memref<2x13x8x128xf32, #tpu.memory_space<vmem>> -> memref<1x1x1x128xf32, #tpu.memory_space<vmem>>
        %dma_start3A_361 = tpu.memref_squeeze %dma_start3A_360 : memref<1x1x1x128xf32, #tpu.memory_space<vmem>> -> memref<128xf32, #tpu.memory_space<vmem>>
        %dma_start3A_362 = arith.constant 768 : i32
        %dma_start3A_363 = tpu.memref_slice %arg6[%add3A_356, %dma_start3A_362] : memref<26x1024xi32, #tpu.memory_space<vmem>> -> memref<1x128xi32, #tpu.memory_space<vmem>>
        %dma_start3A_364 = tpu.memref_squeeze %dma_start3A_363 : memref<1x128xi32, #tpu.memory_space<vmem>> -> memref<128xi32, #tpu.memory_space<vmem>>
        %dma_start3A_365 = arith.constant 0 : i32
        %dma_start3A_366 = tpu.memref_slice %arg8[%dma_start3A_365] : memref<1000064xf32, #tpu.memory_space<vmem_shared>> -> memref<1000064xf32, #tpu.memory_space<vmem_shared>>
        tpu.enqueue_indirect_dma source(%dma_start3A_366 : memref<1000064xf32, #tpu.memory_space<vmem_shared>>) target(%dma_start3A_361 : memref<128xf32, #tpu.memory_space<vmem>>) offsets(%dma_start3A_364 : memref<128xi32, #tpu.memory_space<vmem>>) semaphore(%arg10 : memref<!tpu.dma_semaphore, #tpu.memory_space<semaphore_mem>>)
        %add3A_367 = arith.constant 13 : i32
        %add3A_368 = arith.addi %add3A_367, %add3A_283 : i32
        %dma_start3A_369 = arith.constant 1 : i32
        %dma_start3A_370 = arith.constant 7 : i32
        %dma_start3A_371 = arith.constant 0 : i32
        %dma_start3A_372 = tpu.memref_slice %arg7[%dma_start3A_369, %add3A_283, %dma_start3A_370, %dma_start3A_371] : memref<2x13x8x128xf32, #tpu.memory_space<vmem>> -> memref<1x1x1x128xf32, #tpu.memory_space<vmem>>
        %dma_start3A_373 = tpu.memref_squeeze %dma_start3A_372 : memref<1x1x1x128xf32, #tpu.memory_space<vmem>> -> memref<128xf32, #tpu.memory_space<vmem>>
        %dma_start3A_374 = arith.constant 896 : i32
        %dma_start3A_375 = tpu.memref_slice %arg6[%add3A_368, %dma_start3A_374] : memref<26x1024xi32, #tpu.memory_space<vmem>> -> memref<1x128xi32, #tpu.memory_space<vmem>>
        %dma_start3A_376 = tpu.memref_squeeze %dma_start3A_375 : memref<1x128xi32, #tpu.memory_space<vmem>> -> memref<128xi32, #tpu.memory_space<vmem>>
        %dma_start3A_377 = arith.constant 0 : i32
        %dma_start3A_378 = tpu.memref_slice %arg8[%dma_start3A_377] : memref<1000064xf32, #tpu.memory_space<vmem_shared>> -> memref<1000064xf32, #tpu.memory_space<vmem_shared>>
        tpu.enqueue_indirect_dma source(%dma_start3A_378 : memref<1000064xf32, #tpu.memory_space<vmem_shared>>) target(%dma_start3A_373 : memref<128xf32, #tpu.memory_space<vmem>>) offsets(%dma_start3A_376 : memref<128xi32, #tpu.memory_space<vmem>>) semaphore(%arg10 : memref<!tpu.dma_semaphore, #tpu.memory_space<semaphore_mem>>)
      }
      %scan3A_133 = arith.constant 13 : i32
      %dma_wait3A_134 = arith.constant 0 : i32
      %dma_wait3A_135 = arith.constant 0 : i32
      %dma_wait3A_136 = arith.constant 0 : i32
      %dma_wait3A_137 = arith.constant 0 : i32
      %dma_wait3A_138 = arith.constant 0 : i32
      %dma_wait3A_139 = tpu.memref_slice %arg7[%dma_wait3A_135, %dma_wait3A_136, %dma_wait3A_137, %dma_wait3A_138] : memref<2x13x8x128xf32, #tpu.memory_space<vmem>> -> memref<1x13x8x128xf32, #tpu.memory_space<vmem>>
      %dma_wait3A_140 = tpu.memref_squeeze %dma_wait3A_139 : memref<1x13x8x128xf32, #tpu.memory_space<vmem>> -> memref<13x8x128xf32, #tpu.memory_space<vmem>>
      %dma_wait3A_141 = arith.constant 0 : i32
      %dma_wait3A_142 = arith.constant 0 : i32
      %dma_wait3A_143 = arith.constant 0 : i32
      %dma_wait3A_144 = tpu.memref_slice %arg3[%dma_wait3A_134, %dma_wait3A_141, %dma_wait3A_142, %dma_wait3A_143] : memref<4x7813x8x128xf32, #tpu.memory_space<hbm>> -> memref<1x13x8x128xf32, #tpu.memory_space<hbm>>
      %dma_wait3A_145 = tpu.memref_squeeze %dma_wait3A_144 : memref<1x13x8x128xf32, #tpu.memory_space<hbm>> -> memref<13x8x128xf32, #tpu.memory_space<hbm>>
      %dma_wait3A_146 = arith.constant 0 : i32
      %dma_wait3A_147 = arith.constant 0 : i32
      %dma_wait3A_148 = arith.constant 0 : i32
      %dma_wait3A_149 = tpu.memref_slice %arg7[%dma_wait3A_135, %dma_wait3A_146, %dma_wait3A_147, %dma_wait3A_148] : memref<2x13x8x128xf32, #tpu.memory_space<vmem>> -> memref<1x13x8x128xf32, #tpu.memory_space<vmem>>
      %dma_wait3A_150 = tpu.memref_squeeze %dma_wait3A_149 : memref<1x13x8x128xf32, #tpu.memory_space<vmem>> -> memref<13x8x128xf32, #tpu.memory_space<vmem>>
      %dma_wait3A_151 = arith.constant 0 : i32
      %dma_wait3A_152 = arith.constant 0 : i32
      %dma_wait3A_153 = arith.constant 0 : i32
      %dma_wait3A_154 = tpu.memref_slice %arg3[%dma_wait3A_134, %dma_wait3A_151, %dma_wait3A_152, %dma_wait3A_153] : memref<4x7813x8x128xf32, #tpu.memory_space<hbm>> -> memref<1x13x8x128xf32, #tpu.memory_space<hbm>>
      %dma_wait3A_155 = tpu.memref_squeeze %dma_wait3A_154 : memref<1x13x8x128xf32, #tpu.memory_space<hbm>> -> memref<13x8x128xf32, #tpu.memory_space<hbm>>
      tpu.wait_dma2 semaphore(%arg9 : memref<!tpu.dma_semaphore, #tpu.memory_space<semaphore_mem>>) src(%dma_wait3A_155 : memref<13x8x128xf32, #tpu.memory_space<hbm>>) dst(%dma_wait3A_150 : memref<13x8x128xf32, #tpu.memory_space<vmem>>)
      %add3A_156 = arith.addi %mul3A_0, %add3A_119 : i32
      %jit3A_157 = arith.constant 8 : i32
      %div3A_158 = arith.divsi %add3A_156, %jit3A_157 : i32
      %sign3A_159 = arith.constant 0 : i32
      %sign3A_160 = arith.cmpi sgt, %add3A_156, %sign3A_159 : i32
      %sign3A_161 = arith.extui %sign3A_160 : i1 to i32
      %sign3A_162 = arith.constant 0 : i32
      %sign3A_163 = arith.cmpi slt, %add3A_156, %sign3A_162 : i32
      %sign3A_164 = arith.extui %sign3A_163 : i1 to i32
      %sign3A_165 = arith.subi %sign3A_161, %sign3A_164 : i32
      %sign3A_166 = arith.constant 0 : i32
      %sign3A_167 = arith.cmpi sgt, %jit3A_157, %sign3A_166 : i32
      %sign3A_168 = arith.extui %sign3A_167 : i1 to i32
      %sign3A_169 = arith.constant 0 : i32
      %sign3A_170 = arith.cmpi slt, %jit3A_157, %sign3A_169 : i32
      %sign3A_171 = arith.extui %sign3A_170 : i1 to i32
      %sign3A_172 = arith.subi %sign3A_168, %sign3A_171 : i32
      %ne3A_173 = arith.cmpi ne, %sign3A_165, %sign3A_172 : i32
      %rem3A_174 = arith.remsi %add3A_156, %jit3A_157 : i32
      %ne3A_175 = arith.constant 0 : i32
      %ne3A_176 = arith.cmpi ne, %rem3A_174, %ne3A_175 : i32
      %and3A_177 = arith.andi %ne3A_173, %ne3A_176 : i1
      %sub3A_178 = arith.constant 1 : i32
      %sub3A_179 = arith.subi %div3A_158, %sub3A_178 : i32
      %select_n3A_180 = arith.select %and3A_177, %sub3A_179, %div3A_158 : i32
      %jit3A_181 = arith.constant 8 : i32
      %eq3A_182 = arith.constant 0 : i32
      %eq3A_183 = arith.cmpi eq, %jit3A_181, %eq3A_182 : i32
      %jit3A_184 = arith.constant 1 : i32
      %select_n3A_185 = arith.select %eq3A_183, %jit3A_184, %jit3A_181 : i32
      %rem3A_186 = arith.remsi %add3A_156, %select_n3A_185 : i32
      %ne3A_187 = arith.constant 0 : i32
      %ne3A_188 = arith.cmpi ne, %rem3A_186, %ne3A_187 : i32
      %lt3A_189 = arith.constant 0 : i32
      %lt3A_190 = arith.cmpi slt, %rem3A_186, %lt3A_189 : i32
      %lt3A_191 = arith.constant 0 : i32
      %lt3A_192 = arith.cmpi slt, %select_n3A_185, %lt3A_191 : i32
      %ne3A_193 = arith.xori %lt3A_190, %lt3A_192 : i1
      %and3A_194 = arith.andi %ne3A_193, %ne3A_188 : i1
      %add3A_195 = arith.addi %rem3A_186, %select_n3A_185 : i32
      %select_n3A_196 = arith.select %and3A_194, %add3A_195, %rem3A_186 : i32
      %scan3A_197 = arith.constant 0 : i32
      %scan3A_198 = arith.constant 13 : i32
      %scan3A_199 = arith.addi %scan3A_197, %scan3A_198 : i32
      %scan3A_200 = arith.constant 1 : i32
      scf.for %scan3A_279 = %scan3A_197 to %scan3A_199 step %scan3A_200  : i32 {
        %mul3A_280 = arith.constant 1 : i32
        %mul3A_281 = arith.muli %scan3A_279, %mul3A_280 : i32
        %add3A_282 = arith.constant 0 : i32
        %add3A_283 = arith.addi %add3A_282, %mul3A_281 : i32
        %add3A_284 = arith.constant 0 : i32
        %add3A_285 = arith.addi %add3A_284, %add3A_283 : i32
        %mul3A_286 = arith.constant 8 : i32
        %mul3A_287 = arith.muli %arg1, %mul3A_286 : i32
        %dma_start3A = arith.constant 0 : i32
        %dma_start3A_288 = arith.constant 0 : i32
        %dma_start3A_289 = arith.constant 0 : i32
        %dma_start3A_290 = tpu.memref_slice %arg7[%dma_start3A, %add3A_283, %dma_start3A_288, %dma_start3A_289] : memref<2x13x8x128xf32, #tpu.memory_space<vmem>> -> memref<1x1x8x128xf32, #tpu.memory_space<vmem>>
        %dma_start3A_291 = tpu.memref_squeeze %dma_start3A_290 : memref<1x1x8x128xf32, #tpu.memory_space<vmem>> -> memref<8x128xf32, #tpu.memory_space<vmem>>
        %dma_start3A_292 = arith.constant 0 : i32
        %dma_start3A_293 = tpu.memref_slice %arg5[%add3A_285, %select_n3A_180, %mul3A_287, %select_n3A_196, %dma_start3A_292] : memref<26x4x128x8x128xf32, #tpu.memory_space<hbm>> -> memref<1x1x8x1x128xf32, #tpu.memory_space<hbm>>
        %dma_start3A_294 = tpu.memref_squeeze %dma_start3A_293 : memref<1x1x8x1x128xf32, #tpu.memory_space<hbm>> -> memref<8x128xf32, #tpu.memory_space<hbm>>
        %dma_start3A_295 = arith.constant 0 : i32
        %dma_start3A_296 = tpu.memref_slice %arg5[%add3A_285, %select_n3A_180, %mul3A_287, %select_n3A_196, %dma_start3A_295] : memref<26x4x128x8x128xf32, #tpu.memory_space<hbm>> -> memref<1x1x8x1x128xf32, #tpu.memory_space<hbm>>
        %dma_start3A_297 = tpu.memref_squeeze %dma_start3A_296 : memref<1x1x8x1x128xf32, #tpu.memory_space<hbm>> -> memref<8x128xf32, #tpu.memory_space<hbm>>
        %dma_start3A_298 = arith.constant 0 : i32
        %dma_start3A_299 = arith.constant 0 : i32
        %dma_start3A_300 = tpu.memref_slice %arg7[%dma_start3A, %add3A_283, %dma_start3A_298, %dma_start3A_299] : memref<2x13x8x128xf32, #tpu.memory_space<vmem>> -> memref<1x1x8x128xf32, #tpu.memory_space<vmem>>
        %dma_start3A_301 = tpu.memref_squeeze %dma_start3A_300 : memref<1x1x8x128xf32, #tpu.memory_space<vmem>> -> memref<8x128xf32, #tpu.memory_space<vmem>>
        tpu.enqueue_dma source(%dma_start3A_301 : memref<8x128xf32, #tpu.memory_space<vmem>>) target(%dma_start3A_297 : memref<8x128xf32, #tpu.memory_space<hbm>>) target_semaphore(%arg11 : memref<!tpu.dma_semaphore, #tpu.memory_space<semaphore_mem>>)
      }
      %scan3A_201 = arith.constant 13 : i32
      %dma_wait3A_202 = arith.constant 0 : i32
      %dma_wait3A_203 = arith.constant 1 : i32
      %dma_wait3A_204 = arith.constant 0 : i32
      %dma_wait3A_205 = arith.constant 0 : i32
      %dma_wait3A_206 = arith.constant 0 : i32
      %dma_wait3A_207 = tpu.memref_slice %arg7[%dma_wait3A_203, %dma_wait3A_204, %dma_wait3A_205, %dma_wait3A_206] : memref<2x13x8x128xf32, #tpu.memory_space<vmem>> -> memref<1x13x8x128xf32, #tpu.memory_space<vmem>>
      %dma_wait3A_208 = tpu.memref_squeeze %dma_wait3A_207 : memref<1x13x8x128xf32, #tpu.memory_space<vmem>> -> memref<13x8x128xf32, #tpu.memory_space<vmem>>
      %dma_wait3A_209 = arith.constant 0 : i32
      %dma_wait3A_210 = arith.constant 0 : i32
      %dma_wait3A_211 = arith.constant 0 : i32
      %dma_wait3A_212 = tpu.memref_slice %arg3[%dma_wait3A_202, %dma_wait3A_209, %dma_wait3A_210, %dma_wait3A_211] : memref<4x7813x8x128xf32, #tpu.memory_space<hbm>> -> memref<1x13x8x128xf32, #tpu.memory_space<hbm>>
      %dma_wait3A_213 = tpu.memref_squeeze %dma_wait3A_212 : memref<1x13x8x128xf32, #tpu.memory_space<hbm>> -> memref<13x8x128xf32, #tpu.memory_space<hbm>>
      %dma_wait3A_214 = arith.constant 0 : i32
      %dma_wait3A_215 = arith.constant 0 : i32
      %dma_wait3A_216 = arith.constant 0 : i32
      %dma_wait3A_217 = tpu.memref_slice %arg7[%dma_wait3A_203, %dma_wait3A_214, %dma_wait3A_215, %dma_wait3A_216] : memref<2x13x8x128xf32, #tpu.memory_space<vmem>> -> memref<1x13x8x128xf32, #tpu.memory_space<vmem>>
      %dma_wait3A_218 = tpu.memref_squeeze %dma_wait3A_217 : memref<1x13x8x128xf32, #tpu.memory_space<vmem>> -> memref<13x8x128xf32, #tpu.memory_space<vmem>>
      %dma_wait3A_219 = arith.constant 0 : i32
      %dma_wait3A_220 = arith.constant 0 : i32
      %dma_wait3A_221 = arith.constant 0 : i32
      %dma_wait3A_222 = tpu.memref_slice %arg3[%dma_wait3A_202, %dma_wait3A_219, %dma_wait3A_220, %dma_wait3A_221] : memref<4x7813x8x128xf32, #tpu.memory_space<hbm>> -> memref<1x13x8x128xf32, #tpu.memory_space<hbm>>
      %dma_wait3A_223 = tpu.memref_squeeze %dma_wait3A_222 : memref<1x13x8x128xf32, #tpu.memory_space<hbm>> -> memref<13x8x128xf32, #tpu.memory_space<hbm>>
      tpu.wait_dma2 semaphore(%arg10 : memref<!tpu.dma_semaphore, #tpu.memory_space<semaphore_mem>>) src(%dma_wait3A_223 : memref<13x8x128xf32, #tpu.memory_space<hbm>>) dst(%dma_wait3A_218 : memref<13x8x128xf32, #tpu.memory_space<vmem>>)
      %add3A_224 = arith.addi %mul3A_0, %add3A_119 : i32
      %jit3A_225 = arith.constant 8 : i32
      %div3A_226 = arith.divsi %add3A_224, %jit3A_225 : i32
      %sign3A_227 = arith.constant 0 : i32
      %sign3A_228 = arith.cmpi sgt, %add3A_224, %sign3A_227 : i32
      %sign3A_229 = arith.extui %sign3A_228 : i1 to i32
      %sign3A_230 = arith.constant 0 : i32
      %sign3A_231 = arith.cmpi slt, %add3A_224, %sign3A_230 : i32
      %sign3A_232 = arith.extui %sign3A_231 : i1 to i32
      %sign3A_233 = arith.subi %sign3A_229, %sign3A_232 : i32
      %sign3A_234 = arith.constant 0 : i32
      %sign3A_235 = arith.cmpi sgt, %jit3A_225, %sign3A_234 : i32
      %sign3A_236 = arith.extui %sign3A_235 : i1 to i32
      %sign3A_237 = arith.constant 0 : i32
      %sign3A_238 = arith.cmpi slt, %jit3A_225, %sign3A_237 : i32
      %sign3A_239 = arith.extui %sign3A_238 : i1 to i32
      %sign3A_240 = arith.subi %sign3A_236, %sign3A_239 : i32
      %ne3A_241 = arith.cmpi ne, %sign3A_233, %sign3A_240 : i32
      %rem3A_242 = arith.remsi %add3A_224, %jit3A_225 : i32
      %ne3A_243 = arith.constant 0 : i32
      %ne3A_244 = arith.cmpi ne, %rem3A_242, %ne3A_243 : i32
      %and3A_245 = arith.andi %ne3A_241, %ne3A_244 : i1
      %sub3A_246 = arith.constant 1 : i32
      %sub3A_247 = arith.subi %div3A_226, %sub3A_246 : i32
      %select_n3A_248 = arith.select %and3A_245, %sub3A_247, %div3A_226 : i32
      %jit3A_249 = arith.constant 8 : i32
      %eq3A_250 = arith.constant 0 : i32
      %eq3A_251 = arith.cmpi eq, %jit3A_249, %eq3A_250 : i32
      %jit3A_252 = arith.constant 1 : i32
      %select_n3A_253 = arith.select %eq3A_251, %jit3A_252, %jit3A_249 : i32
      %rem3A_254 = arith.remsi %add3A_224, %select_n3A_253 : i32
      %ne3A_255 = arith.constant 0 : i32
      %ne3A_256 = arith.cmpi ne, %rem3A_254, %ne3A_255 : i32
      %lt3A_257 = arith.constant 0 : i32
      %lt3A_258 = arith.cmpi slt, %rem3A_254, %lt3A_257 : i32
      %lt3A_259 = arith.constant 0 : i32
      %lt3A_260 = arith.cmpi slt, %select_n3A_253, %lt3A_259 : i32
      %ne3A_261 = arith.xori %lt3A_258, %lt3A_260 : i1
      %and3A_262 = arith.andi %ne3A_261, %ne3A_256 : i1
      %add3A_263 = arith.addi %rem3A_254, %select_n3A_253 : i32
      %select_n3A_264 = arith.select %and3A_262, %add3A_263, %rem3A_254 : i32
      %scan3A_265 = arith.constant 0 : i32
      %scan3A_266 = arith.constant 13 : i32
      %scan3A_267 = arith.addi %scan3A_265, %scan3A_266 : i32
      %scan3A_268 = arith.constant 1 : i32
      scf.for %scan3A_279 = %scan3A_265 to %scan3A_267 step %scan3A_268  : i32 {
        %mul3A_280 = arith.constant 1 : i32
        %mul3A_281 = arith.muli %scan3A_279, %mul3A_280 : i32
        %add3A_282 = arith.constant 0 : i32
        %add3A_283 = arith.addi %add3A_282, %mul3A_281 : i32
        %add3A_284 = arith.constant 13 : i32
        %add3A_285 = arith.addi %add3A_284, %add3A_283 : i32
        %mul3A_286 = arith.constant 8 : i32
        %mul3A_287 = arith.muli %arg1, %mul3A_286 : i32
        %dma_start3A = arith.constant 1 : i32
        %dma_start3A_288 = arith.constant 0 : i32
        %dma_start3A_289 = arith.constant 0 : i32
        %dma_start3A_290 = tpu.memref_slice %arg7[%dma_start3A, %add3A_283, %dma_start3A_288, %dma_start3A_289] : memref<2x13x8x128xf32, #tpu.memory_space<vmem>> -> memref<1x1x8x128xf32, #tpu.memory_space<vmem>>
        %dma_start3A_291 = tpu.memref_squeeze %dma_start3A_290 : memref<1x1x8x128xf32, #tpu.memory_space<vmem>> -> memref<8x128xf32, #tpu.memory_space<vmem>>
        %dma_start3A_292 = arith.constant 0 : i32
        %dma_start3A_293 = tpu.memref_slice %arg5[%add3A_285, %select_n3A_248, %mul3A_287, %select_n3A_264, %dma_start3A_292] : memref<26x4x128x8x128xf32, #tpu.memory_space<hbm>> -> memref<1x1x8x1x128xf32, #tpu.memory_space<hbm>>
        %dma_start3A_294 = tpu.memref_squeeze %dma_start3A_293 : memref<1x1x8x1x128xf32, #tpu.memory_space<hbm>> -> memref<8x128xf32, #tpu.memory_space<hbm>>
        %dma_start3A_295 = arith.constant 0 : i32
        %dma_start3A_296 = tpu.memref_slice %arg5[%add3A_285, %select_n3A_248, %mul3A_287, %select_n3A_264, %dma_start3A_295] : memref<26x4x128x8x128xf32, #tpu.memory_space<hbm>> -> memref<1x1x8x1x128xf32, #tpu.memory_space<hbm>>
        %dma_start3A_297 = tpu.memref_squeeze %dma_start3A_296 : memref<1x1x8x1x128xf32, #tpu.memory_space<hbm>> -> memref<8x128xf32, #tpu.memory_space<hbm>>
        %dma_start3A_298 = arith.constant 0 : i32
        %dma_start3A_299 = arith.constant 0 : i32
        %dma_start3A_300 = tpu.memref_slice %arg7[%dma_start3A, %add3A_283, %dma_start3A_298, %dma_start3A_299] : memref<2x13x8x128xf32, #tpu.memory_space<vmem>> -> memref<1x1x8x128xf32, #tpu.memory_space<vmem>>
        %dma_start3A_301 = tpu.memref_squeeze %dma_start3A_300 : memref<1x1x8x128xf32, #tpu.memory_space<vmem>> -> memref<8x128xf32, #tpu.memory_space<vmem>>
        tpu.enqueue_dma source(%dma_start3A_301 : memref<8x128xf32, #tpu.memory_space<vmem>>) target(%dma_start3A_297 : memref<8x128xf32, #tpu.memory_space<hbm>>) target_semaphore(%arg12 : memref<!tpu.dma_semaphore, #tpu.memory_space<semaphore_mem>>)
      }
      %scan3A_269 = arith.constant 13 : i32
      %barrier3A_270 = arith.constant 0 : index
      tpu.barrier barrier_id(%barrier3A_270)
      %add3A_271 = arith.constant 1 : i32
      %add3A_272 = arith.addi %add3A_119, %add3A_271 : i32
      %lt3A_273 = arith.constant 16 : i32
      %lt3A_274 = arith.cmpi slt, %add3A_272, %lt3A_273 : i32
      %convert_element_type3A_275 = arith.extui %lt3A_274 : i1 to i32
      %cond3A_276 = arith.constant 0 : i32
      %cond3A_277 = arith.cmpi ne, %convert_element_type3A_275, %cond3A_276 : i32
      scf.if %cond3A_277 {
        %add3A_279 = arith.constant 1 : i32
        %add3A_280 = arith.addi %add3A_119, %add3A_279 : i32
        %add3A_281 = arith.addi %mul3A_0, %add3A_280 : i32
        %jit3A_282 = arith.constant 8 : i32
        %div3A_283 = arith.divsi %add3A_281, %jit3A_282 : i32
        %sign3A_284 = arith.constant 0 : i32
        %sign3A_285 = arith.cmpi sgt, %add3A_281, %sign3A_284 : i32
        %sign3A_286 = arith.extui %sign3A_285 : i1 to i32
        %sign3A_287 = arith.constant 0 : i32
        %sign3A_288 = arith.cmpi slt, %add3A_281, %sign3A_287 : i32
        %sign3A_289 = arith.extui %sign3A_288 : i1 to i32
        %sign3A_290 = arith.subi %sign3A_286, %sign3A_289 : i32
        %sign3A_291 = arith.constant 0 : i32
        %sign3A_292 = arith.cmpi sgt, %jit3A_282, %sign3A_291 : i32
        %sign3A_293 = arith.extui %sign3A_292 : i1 to i32
        %sign3A_294 = arith.constant 0 : i32
        %sign3A_295 = arith.cmpi slt, %jit3A_282, %sign3A_294 : i32
        %sign3A_296 = arith.extui %sign3A_295 : i1 to i32
        %sign3A_297 = arith.subi %sign3A_293, %sign3A_296 : i32
        %ne3A_298 = arith.cmpi ne, %sign3A_290, %sign3A_297 : i32
        %rem3A_299 = arith.remsi %add3A_281, %jit3A_282 : i32
        %ne3A_300 = arith.constant 0 : i32
        %ne3A_301 = arith.cmpi ne, %rem3A_299, %ne3A_300 : i32
        %and3A_302 = arith.andi %ne3A_298, %ne3A_301 : i1
        %sub3A_303 = arith.constant 1 : i32
        %sub3A_304 = arith.subi %div3A_283, %sub3A_303 : i32
        %select_n3A_305 = arith.select %and3A_302, %sub3A_304, %div3A_283 : i32
        %jit3A_306 = arith.constant 8 : i32
        %eq3A_307 = arith.constant 0 : i32
        %eq3A_308 = arith.cmpi eq, %jit3A_306, %eq3A_307 : i32
        %jit3A_309 = arith.constant 1 : i32
        %select_n3A_310 = arith.select %eq3A_308, %jit3A_309, %jit3A_306 : i32
        %rem3A_311 = arith.remsi %add3A_281, %select_n3A_310 : i32
        %ne3A_312 = arith.constant 0 : i32
        %ne3A_313 = arith.cmpi ne, %rem3A_311, %ne3A_312 : i32
        %lt3A_314 = arith.constant 0 : i32
        %lt3A_315 = arith.cmpi slt, %rem3A_311, %lt3A_314 : i32
        %lt3A_316 = arith.constant 0 : i32
        %lt3A_317 = arith.cmpi slt, %select_n3A_310, %lt3A_316 : i32
        %ne3A_318 = arith.xori %lt3A_315, %lt3A_317 : i1
        %and3A_319 = arith.andi %ne3A_318, %ne3A_313 : i1
        %add3A_320 = arith.addi %rem3A_311, %select_n3A_310 : i32
        %select_n3A_321 = arith.select %and3A_319, %add3A_320, %rem3A_311 : i32
        %mul3A_322 = arith.constant 488 : i32
        %mul3A_323 = arith.muli %arg1, %mul3A_322 : i32
        %scan3A_324 = arith.constant 0 : i32
        %scan3A_325 = arith.constant 244 : i32
        %scan3A_326 = arith.addi %scan3A_324, %scan3A_325 : i32
        %scan3A_327 = arith.constant 4 : i32
        scf.for %scan3A_357 = %scan3A_324 to %scan3A_326 step %scan3A_327  : i32 {
          %mul3A_358 = arith.constant 1 : i32
          %mul3A_359 = arith.muli %scan3A_357, %mul3A_358 : i32
          %add3A_360 = arith.constant 0 : i32
          %add3A_361 = arith.addi %add3A_360, %mul3A_359 : i32
          %add3A_362 = arith.addi %mul3A_323, %add3A_361 : i32
          %mul3A_363 = arith.constant 128 : i32
          %mul3A_364 = arith.muli %add3A_362, %mul3A_363 : i32
          %dma_start3A = tpu.memref_slice %arg8[%mul3A_364] : memref<1000064xf32, #tpu.memory_space<vmem_shared>> -> memref<128xf32, #tpu.memory_space<vmem_shared>>
          %dma_start3A_365 = arith.constant 0 : i32
          %dma_start3A_366 = tpu.memref_slice %arg3[%select_n3A_305, %add3A_362, %select_n3A_321, %dma_start3A_365] : memref<4x7813x8x128xf32, #tpu.memory_space<hbm>> -> memref<1x1x1x128xf32, #tpu.memory_space<hbm>>
          %dma_start3A_367 = tpu.memref_squeeze %dma_start3A_366 : memref<1x1x1x128xf32, #tpu.memory_space<hbm>> -> memref<128xf32, #tpu.memory_space<hbm>>
          tpu.enqueue_dma source(%dma_start3A_367 : memref<128xf32, #tpu.memory_space<hbm>>) target(%dma_start3A : memref<128xf32, #tpu.memory_space<vmem_shared>>) target_semaphore(%arg13 : memref<!tpu.dma_semaphore, #tpu.memory_space<semaphore_mem>>)
          %add3A_368 = arith.constant 244 : i32
          %add3A_369 = arith.addi %mul3A_323, %add3A_368 : i32
          %add3A_370 = arith.addi %add3A_369, %add3A_361 : i32
          %mul3A_371 = arith.constant 128 : i32
          %mul3A_372 = arith.muli %add3A_370, %mul3A_371 : i32
          %dma_start3A_373 = tpu.memref_slice %arg8[%mul3A_372] : memref<1000064xf32, #tpu.memory_space<vmem_shared>> -> memref<128xf32, #tpu.memory_space<vmem_shared>>
          %dma_start3A_374 = arith.constant 0 : i32
          %dma_start3A_375 = tpu.memref_slice %arg3[%select_n3A_305, %add3A_370, %select_n3A_321, %dma_start3A_374] : memref<4x7813x8x128xf32, #tpu.memory_space<hbm>> -> memref<1x1x1x128xf32, #tpu.memory_space<hbm>>
          %dma_start3A_376 = tpu.memref_squeeze %dma_start3A_375 : memref<1x1x1x128xf32, #tpu.memory_space<hbm>> -> memref<128xf32, #tpu.memory_space<hbm>>
          tpu.enqueue_dma source(%dma_start3A_376 : memref<128xf32, #tpu.memory_space<hbm>>) target(%dma_start3A_373 : memref<128xf32, #tpu.memory_space<vmem_shared>>) target_semaphore(%arg14 : memref<!tpu.dma_semaphore, #tpu.memory_space<semaphore_mem>>)
          %scan3A_377 = arith.constant 1 : i32
          %scan3A_378 = arith.addi %scan3A_357, %scan3A_377 : i32
          %mul3A_379 = arith.constant 1 : i32
          %mul3A_380 = arith.muli %scan3A_378, %mul3A_379 : i32
          %add3A_381 = arith.constant 0 : i32
          %add3A_382 = arith.addi %add3A_381, %mul3A_380 : i32
          %add3A_383 = arith.addi %mul3A_323, %add3A_382 : i32
          %mul3A_384 = arith.constant 128 : i32
          %mul3A_385 = arith.muli %add3A_383, %mul3A_384 : i32
          %dma_start3A_386 = tpu.memref_slice %arg8[%mul3A_385] : memref<1000064xf32, #tpu.memory_space<vmem_shared>> -> memref<128xf32, #tpu.memory_space<vmem_shared>>
          %dma_start3A_387 = arith.constant 0 : i32
          %dma_start3A_388 = tpu.memref_slice %arg3[%select_n3A_305, %add3A_383, %select_n3A_321, %dma_start3A_387] : memref<4x7813x8x128xf32, #tpu.memory_space<hbm>> -> memref<1x1x1x128xf32, #tpu.memory_space<hbm>>
          %dma_start3A_389 = tpu.memref_squeeze %dma_start3A_388 : memref<1x1x1x128xf32, #tpu.memory_space<hbm>> -> memref<128xf32, #tpu.memory_space<hbm>>
          tpu.enqueue_dma source(%dma_start3A_389 : memref<128xf32, #tpu.memory_space<hbm>>) target(%dma_start3A_386 : memref<128xf32, #tpu.memory_space<vmem_shared>>) target_semaphore(%arg13 : memref<!tpu.dma_semaphore, #tpu.memory_space<semaphore_mem>>)
          %add3A_390 = arith.constant 244 : i32
          %add3A_391 = arith.addi %mul3A_323, %add3A_390 : i32
          %add3A_392 = arith.addi %add3A_391, %add3A_382 : i32
          %mul3A_393 = arith.constant 128 : i32
          %mul3A_394 = arith.muli %add3A_392, %mul3A_393 : i32
          %dma_start3A_395 = tpu.memref_slice %arg8[%mul3A_394] : memref<1000064xf32, #tpu.memory_space<vmem_shared>> -> memref<128xf32, #tpu.memory_space<vmem_shared>>
          %dma_start3A_396 = arith.constant 0 : i32
          %dma_start3A_397 = tpu.memref_slice %arg3[%select_n3A_305, %add3A_392, %select_n3A_321, %dma_start3A_396] : memref<4x7813x8x128xf32, #tpu.memory_space<hbm>> -> memref<1x1x1x128xf32, #tpu.memory_space<hbm>>
          %dma_start3A_398 = tpu.memref_squeeze %dma_start3A_397 : memref<1x1x1x128xf32, #tpu.memory_space<hbm>> -> memref<128xf32, #tpu.memory_space<hbm>>
          tpu.enqueue_dma source(%dma_start3A_398 : memref<128xf32, #tpu.memory_space<hbm>>) target(%dma_start3A_395 : memref<128xf32, #tpu.memory_space<vmem_shared>>) target_semaphore(%arg14 : memref<!tpu.dma_semaphore, #tpu.memory_space<semaphore_mem>>)
          %scan3A_399 = arith.constant 2 : i32
          %scan3A_400 = arith.addi %scan3A_357, %scan3A_399 : i32
          %mul3A_401 = arith.constant 1 : i32
          %mul3A_402 = arith.muli %scan3A_400, %mul3A_401 : i32
          %add3A_403 = arith.constant 0 : i32
          %add3A_404 = arith.addi %add3A_403, %mul3A_402 : i32
          %add3A_405 = arith.addi %mul3A_323, %add3A_404 : i32
          %mul3A_406 = arith.constant 128 : i32
          %mul3A_407 = arith.muli %add3A_405, %mul3A_406 : i32
          %dma_start3A_408 = tpu.memref_slice %arg8[%mul3A_407] : memref<1000064xf32, #tpu.memory_space<vmem_shared>> -> memref<128xf32, #tpu.memory_space<vmem_shared>>
          %dma_start3A_409 = arith.constant 0 : i32
          %dma_start3A_410 = tpu.memref_slice %arg3[%select_n3A_305, %add3A_405, %select_n3A_321, %dma_start3A_409] : memref<4x7813x8x128xf32, #tpu.memory_space<hbm>> -> memref<1x1x1x128xf32, #tpu.memory_space<hbm>>
          %dma_start3A_411 = tpu.memref_squeeze %dma_start3A_410 : memref<1x1x1x128xf32, #tpu.memory_space<hbm>> -> memref<128xf32, #tpu.memory_space<hbm>>
          tpu.enqueue_dma source(%dma_start3A_411 : memref<128xf32, #tpu.memory_space<hbm>>) target(%dma_start3A_408 : memref<128xf32, #tpu.memory_space<vmem_shared>>) target_semaphore(%arg13 : memref<!tpu.dma_semaphore, #tpu.memory_space<semaphore_mem>>)
          %add3A_412 = arith.constant 244 : i32
          %add3A_413 = arith.addi %mul3A_323, %add3A_412 : i32
          %add3A_414 = arith.addi %add3A_413, %add3A_404 : i32
          %mul3A_415 = arith.constant 128 : i32
          %mul3A_416 = arith.muli %add3A_414, %mul3A_415 : i32
          %dma_start3A_417 = tpu.memref_slice %arg8[%mul3A_416] : memref<1000064xf32, #tpu.memory_space<vmem_shared>> -> memref<128xf32, #tpu.memory_space<vmem_shared>>
          %dma_start3A_418 = arith.constant 0 : i32
          %dma_start3A_419 = tpu.memref_slice %arg3[%select_n3A_305, %add3A_414, %select_n3A_321, %dma_start3A_418] : memref<4x7813x8x128xf32, #tpu.memory_space<hbm>> -> memref<1x1x1x128xf32, #tpu.memory_space<hbm>>
          %dma_start3A_420 = tpu.memref_squeeze %dma_start3A_419 : memref<1x1x1x128xf32, #tpu.memory_space<hbm>> -> memref<128xf32, #tpu.memory_space<hbm>>
          tpu.enqueue_dma source(%dma_start3A_420 : memref<128xf32, #tpu.memory_space<hbm>>) target(%dma_start3A_417 : memref<128xf32, #tpu.memory_space<vmem_shared>>) target_semaphore(%arg14 : memref<!tpu.dma_semaphore, #tpu.memory_space<semaphore_mem>>)
          %scan3A_421 = arith.constant 3 : i32
          %scan3A_422 = arith.addi %scan3A_357, %scan3A_421 : i32
          %mul3A_423 = arith.constant 1 : i32
          %mul3A_424 = arith.muli %scan3A_422, %mul3A_423 : i32
          %add3A_425 = arith.constant 0 : i32
          %add3A_426 = arith.addi %add3A_425, %mul3A_424 : i32
          %add3A_427 = arith.addi %mul3A_323, %add3A_426 : i32
          %mul3A_428 = arith.constant 128 : i32
          %mul3A_429 = arith.muli %add3A_427, %mul3A_428 : i32
          %dma_start3A_430 = tpu.memref_slice %arg8[%mul3A_429] : memref<1000064xf32, #tpu.memory_space<vmem_shared>> -> memref<128xf32, #tpu.memory_space<vmem_shared>>
          %dma_start3A_431 = arith.constant 0 : i32
          %dma_start3A_432 = tpu.memref_slice %arg3[%select_n3A_305, %add3A_427, %select_n3A_321, %dma_start3A_431] : memref<4x7813x8x128xf32, #tpu.memory_space<hbm>> -> memref<1x1x1x128xf32, #tpu.memory_space<hbm>>
          %dma_start3A_433 = tpu.memref_squeeze %dma_start3A_432 : memref<1x1x1x128xf32, #tpu.memory_space<hbm>> -> memref<128xf32, #tpu.memory_space<hbm>>
          tpu.enqueue_dma source(%dma_start3A_433 : memref<128xf32, #tpu.memory_space<hbm>>) target(%dma_start3A_430 : memref<128xf32, #tpu.memory_space<vmem_shared>>) target_semaphore(%arg13 : memref<!tpu.dma_semaphore, #tpu.memory_space<semaphore_mem>>)
          %add3A_434 = arith.constant 244 : i32
          %add3A_435 = arith.addi %mul3A_323, %add3A_434 : i32
          %add3A_436 = arith.addi %add3A_435, %add3A_426 : i32
          %mul3A_437 = arith.constant 128 : i32
          %mul3A_438 = arith.muli %add3A_436, %mul3A_437 : i32
          %dma_start3A_439 = tpu.memref_slice %arg8[%mul3A_438] : memref<1000064xf32, #tpu.memory_space<vmem_shared>> -> memref<128xf32, #tpu.memory_space<vmem_shared>>
          %dma_start3A_440 = arith.constant 0 : i32
          %dma_start3A_441 = tpu.memref_slice %arg3[%select_n3A_305, %add3A_436, %select_n3A_321, %dma_start3A_440] : memref<4x7813x8x128xf32, #tpu.memory_space<hbm>> -> memref<1x1x1x128xf32, #tpu.memory_space<hbm>>
          %dma_start3A_442 = tpu.memref_squeeze %dma_start3A_441 : memref<1x1x1x128xf32, #tpu.memory_space<hbm>> -> memref<128xf32, #tpu.memory_space<hbm>>
          tpu.enqueue_dma source(%dma_start3A_442 : memref<128xf32, #tpu.memory_space<hbm>>) target(%dma_start3A_439 : memref<128xf32, #tpu.memory_space<vmem_shared>>) target_semaphore(%arg14 : memref<!tpu.dma_semaphore, #tpu.memory_space<semaphore_mem>>)
        }
        %scan3A_328 = arith.constant 244 : i32
        %eq3A_329 = arith.constant 0 : i32
        %eq3A_330 = arith.cmpi eq, %arg1, %eq3A_329 : i32
        %convert_element_type3A_331 = arith.extui %eq3A_330 : i1 to i32
        %cond3A_332 = arith.constant 0 : i32
        %cond3A_333 = arith.cmpi ne, %convert_element_type3A_331, %cond3A_332 : i32
        scf.if %cond3A_333 {
          %scan3A_357 = arith.constant 0 : i32
          %scan3A_358 = arith.constant 5 : i32
          %scan3A_359 = arith.addi %scan3A_357, %scan3A_358 : i32
          %scan3A_360 = arith.constant 1 : i32
          scf.for %scan3A_362 = %scan3A_357 to %scan3A_359 step %scan3A_360  : i32 {
            %mul3A_363 = arith.constant 1 : i32
            %mul3A_364 = arith.muli %scan3A_362, %mul3A_363 : i32
            %add3A_365 = arith.constant 0 : i32
            %add3A_366 = arith.addi %add3A_365, %mul3A_364 : i32
            %add3A_367 = arith.constant 7808 : i32
            %add3A_368 = arith.addi %add3A_367, %add3A_366 : i32
            %mul3A_369 = arith.constant 128 : i32
            %mul3A_370 = arith.muli %add3A_368, %mul3A_369 : i32
            %dma_start3A = tpu.memref_slice %arg8[%mul3A_370] : memref<1000064xf32, #tpu.memory_space<vmem_shared>> -> memref<128xf32, #tpu.memory_space<vmem_shared>>
            %dma_start3A_371 = arith.constant 0 : i32
            %dma_start3A_372 = tpu.memref_slice %arg3[%select_n3A_305, %add3A_368, %select_n3A_321, %dma_start3A_371] : memref<4x7813x8x128xf32, #tpu.memory_space<hbm>> -> memref<1x1x1x128xf32, #tpu.memory_space<hbm>>
            %dma_start3A_373 = tpu.memref_squeeze %dma_start3A_372 : memref<1x1x1x128xf32, #tpu.memory_space<hbm>> -> memref<128xf32, #tpu.memory_space<hbm>>
            tpu.enqueue_dma source(%dma_start3A_373 : memref<128xf32, #tpu.memory_space<hbm>>) target(%dma_start3A : memref<128xf32, #tpu.memory_space<vmem_shared>>) target_semaphore(%arg13 : memref<!tpu.dma_semaphore, #tpu.memory_space<semaphore_mem>>)
          }
          %scan3A_361 = arith.constant 5 : i32
        } else {
        }
        %add3A_334 = arith.constant 1 : i32
        %add3A_335 = arith.addi %add3A_119, %add3A_334 : i32
        %mul3A_336 = arith.constant 488 : i32
        %mul3A_337 = arith.muli %arg1, %mul3A_336 : i32
        %mul3A_338 = arith.constant 128 : i32
        %mul3A_339 = arith.muli %mul3A_337, %mul3A_338 : i32
        %dma_wait3A_340 = tpu.memref_slice %arg8[%mul3A_339] : memref<1000064xf32, #tpu.memory_space<vmem_shared>> -> memref<31232xf32, #tpu.memory_space<vmem_shared>>
        %dma_wait3A_341 = arith.constant 0 : i32
        %dma_wait3A_342 = tpu.memref_slice %arg4[%dma_wait3A_341] : memref<62464xf32, #tpu.memory_space<hbm>> -> memref<31232xf32, #tpu.memory_space<hbm>>
        tpu.wait_dma2 semaphore(%arg13 : memref<!tpu.dma_semaphore, #tpu.memory_space<semaphore_mem>>) src(%dma_wait3A_342 : memref<31232xf32, #tpu.memory_space<hbm>>) dst(%dma_wait3A_340 : memref<31232xf32, #tpu.memory_space<vmem_shared>>)
        %mul3A_343 = arith.constant 488 : i32
        %mul3A_344 = arith.muli %arg1, %mul3A_343 : i32
        %mul3A_345 = arith.constant 128 : i32
        %mul3A_346 = arith.muli %mul3A_344, %mul3A_345 : i32
        %add3A_347 = arith.constant 31232 : i32
        %add3A_348 = arith.addi %mul3A_346, %add3A_347 : i32
        %dma_wait3A_349 = tpu.memref_slice %arg8[%add3A_348] : memref<1000064xf32, #tpu.memory_space<vmem_shared>> -> memref<31232xf32, #tpu.memory_space<vmem_shared>>
        %dma_wait3A_350 = arith.constant 0 : i32
        %dma_wait3A_351 = tpu.memref_slice %arg4[%dma_wait3A_350] : memref<62464xf32, #tpu.memory_space<hbm>> -> memref<31232xf32, #tpu.memory_space<hbm>>
        tpu.wait_dma2 semaphore(%arg14 : memref<!tpu.dma_semaphore, #tpu.memory_space<semaphore_mem>>) src(%dma_wait3A_351 : memref<31232xf32, #tpu.memory_space<hbm>>) dst(%dma_wait3A_349 : memref<31232xf32, #tpu.memory_space<vmem_shared>>)
        %eq3A_352 = arith.constant 0 : i32
        %eq3A_353 = arith.cmpi eq, %arg1, %eq3A_352 : i32
        %convert_element_type3A_354 = arith.extui %eq3A_353 : i1 to i32
        %cond3A_355 = arith.constant 0 : i32
        %cond3A_356 = arith.cmpi ne, %convert_element_type3A_354, %cond3A_355 : i32
        scf.if %cond3A_356 {
          %dma_wait3A_357 = arith.constant 999424 : i32
          %dma_wait3A_358 = tpu.memref_slice %arg8[%dma_wait3A_357] : memref<1000064xf32, #tpu.memory_space<vmem_shared>> -> memref<640xf32, #tpu.memory_space<vmem_shared>>
          %dma_wait3A_359 = arith.constant 0 : i32
          %dma_wait3A_360 = tpu.memref_slice %arg4[%dma_wait3A_359] : memref<62464xf32, #tpu.memory_space<hbm>> -> memref<640xf32, #tpu.memory_space<hbm>>
          tpu.wait_dma2 semaphore(%arg13 : memref<!tpu.dma_semaphore, #tpu.memory_space<semaphore_mem>>) src(%dma_wait3A_360 : memref<640xf32, #tpu.memory_space<hbm>>) dst(%dma_wait3A_358 : memref<640xf32, #tpu.memory_space<vmem_shared>>)
        } else {
        }
      } else {
      }
      %barrier3A_278 = arith.constant 0 : index
      tpu.barrier barrier_id(%barrier3A_278)
    }
    %scan3A_70 = arith.constant 16 : i32
    %dma_wait3A_71 = arith.constant 0 : i32
    %dma_wait3A_72 = arith.constant 0 : i32
    %dma_wait3A_73 = arith.constant 0 : i32
    %dma_wait3A_74 = arith.constant 0 : i32
    %dma_wait3A_75 = arith.constant 0 : i32
    %dma_wait3A_76 = tpu.memref_slice %arg7[%dma_wait3A_72, %dma_wait3A_73, %dma_wait3A_74, %dma_wait3A_75] : memref<2x13x8x128xf32, #tpu.memory_space<vmem>> -> memref<1x13x8x128xf32, #tpu.memory_space<vmem>>
    %dma_wait3A_77 = tpu.memref_squeeze %dma_wait3A_76 : memref<1x13x8x128xf32, #tpu.memory_space<vmem>> -> memref<13x8x128xf32, #tpu.memory_space<vmem>>
    %dma_wait3A_78 = arith.constant 0 : i32
    %dma_wait3A_79 = arith.constant 0 : i32
    %dma_wait3A_80 = arith.constant 0 : i32
    %dma_wait3A_81 = tpu.memref_slice %arg3[%dma_wait3A_71, %dma_wait3A_78, %dma_wait3A_79, %dma_wait3A_80] : memref<4x7813x8x128xf32, #tpu.memory_space<hbm>> -> memref<1x13x8x128xf32, #tpu.memory_space<hbm>>
    %dma_wait3A_82 = tpu.memref_squeeze %dma_wait3A_81 : memref<1x13x8x128xf32, #tpu.memory_space<hbm>> -> memref<13x8x128xf32, #tpu.memory_space<hbm>>
    %dma_wait3A_83 = arith.constant 0 : i32
    %dma_wait3A_84 = arith.constant 0 : i32
    %dma_wait3A_85 = arith.constant 0 : i32
    %dma_wait3A_86 = tpu.memref_slice %arg7[%dma_wait3A_72, %dma_wait3A_83, %dma_wait3A_84, %dma_wait3A_85] : memref<2x13x8x128xf32, #tpu.memory_space<vmem>> -> memref<1x13x8x128xf32, #tpu.memory_space<vmem>>
    %dma_wait3A_87 = tpu.memref_squeeze %dma_wait3A_86 : memref<1x13x8x128xf32, #tpu.memory_space<vmem>> -> memref<13x8x128xf32, #tpu.memory_space<vmem>>
    %dma_wait3A_88 = arith.constant 0 : i32
    %dma_wait3A_89 = arith.constant 0 : i32
    %dma_wait3A_90 = arith.constant 0 : i32
    %dma_wait3A_91 = tpu.memref_slice %arg3[%dma_wait3A_71, %dma_wait3A_88, %dma_wait3A_89, %dma_wait3A_90] : memref<4x7813x8x128xf32, #tpu.memory_space<hbm>> -> memref<1x13x8x128xf32, #tpu.memory_space<hbm>>
    %dma_wait3A_92 = tpu.memref_squeeze %dma_wait3A_91 : memref<1x13x8x128xf32, #tpu.memory_space<hbm>> -> memref<13x8x128xf32, #tpu.memory_space<hbm>>
    tpu.wait_dma2 semaphore(%arg11 : memref<!tpu.dma_semaphore, #tpu.memory_space<semaphore_mem>>) src(%dma_wait3A_92 : memref<13x8x128xf32, #tpu.memory_space<hbm>>) dst(%dma_wait3A_87 : memref<13x8x128xf32, #tpu.memory_space<vmem>>)
    %dma_wait3A_93 = arith.constant 0 : i32
    %dma_wait3A_94 = arith.constant 1 : i32
    %dma_wait3A_95 = arith.constant 0 : i32
    %dma_wait3A_96 = arith.constant 0 : i32
    %dma_wait3A_97 = arith.constant 0 : i32
    %dma_wait3A_98 = tpu.memref_slice %arg7[%dma_wait3A_94, %dma_wait3A_95, %dma_wait3A_96, %dma_wait3A_97] : memref<2x13x8x128xf32, #tpu.memory_space<vmem>> -> memref<1x13x8x128xf32, #tpu.memory_space<vmem>>
    %dma_wait3A_99 = tpu.memref_squeeze %dma_wait3A_98 : memref<1x13x8x128xf32, #tpu.memory_space<vmem>> -> memref<13x8x128xf32, #tpu.memory_space<vmem>>
    %dma_wait3A_100 = arith.constant 0 : i32
    %dma_wait3A_101 = arith.constant 0 : i32
    %dma_wait3A_102 = arith.constant 0 : i32
    %dma_wait3A_103 = tpu.memref_slice %arg3[%dma_wait3A_93, %dma_wait3A_100, %dma_wait3A_101, %dma_wait3A_102] : memref<4x7813x8x128xf32, #tpu.memory_space<hbm>> -> memref<1x13x8x128xf32, #tpu.memory_space<hbm>>
    %dma_wait3A_104 = tpu.memref_squeeze %dma_wait3A_103 : memref<1x13x8x128xf32, #tpu.memory_space<hbm>> -> memref<13x8x128xf32, #tpu.memory_space<hbm>>
    %dma_wait3A_105 = arith.constant 0 : i32
    %dma_wait3A_106 = arith.constant 0 : i32
    %dma_wait3A_107 = arith.constant 0 : i32
    %dma_wait3A_108 = tpu.memref_slice %arg7[%dma_wait3A_94, %dma_wait3A_105, %dma_wait3A_106, %dma_wait3A_107] : memref<2x13x8x128xf32, #tpu.memory_space<vmem>> -> memref<1x13x8x128xf32, #tpu.memory_space<vmem>>
    %dma_wait3A_109 = tpu.memref_squeeze %dma_wait3A_108 : memref<1x13x8x128xf32, #tpu.memory_space<vmem>> -> memref<13x8x128xf32, #tpu.memory_space<vmem>>
    %dma_wait3A_110 = arith.constant 0 : i32
    %dma_wait3A_111 = arith.constant 0 : i32
    %dma_wait3A_112 = arith.constant 0 : i32
    %dma_wait3A_113 = tpu.memref_slice %arg3[%dma_wait3A_93, %dma_wait3A_110, %dma_wait3A_111, %dma_wait3A_112] : memref<4x7813x8x128xf32, #tpu.memory_space<hbm>> -> memref<1x13x8x128xf32, #tpu.memory_space<hbm>>
    %dma_wait3A_114 = tpu.memref_squeeze %dma_wait3A_113 : memref<1x13x8x128xf32, #tpu.memory_space<hbm>> -> memref<13x8x128xf32, #tpu.memory_space<hbm>>
    tpu.wait_dma2 semaphore(%arg12 : memref<!tpu.dma_semaphore, #tpu.memory_space<semaphore_mem>>) src(%dma_wait3A_114 : memref<13x8x128xf32, #tpu.memory_space<hbm>>) dst(%dma_wait3A_109 : memref<13x8x128xf32, #tpu.memory_space<vmem>>)
    return
  }
}

</mosaic_0001>

<sc_bundles>
// kernel: kernel.3.cloned.1.call-start
scs
__scs_entry_jumppad:
0x0: {  	(pc) =	sbr.rel $0x88, $3  }
0x1: {  	(tag) =	ssettag $0x0;
	lr =	simm.s32 $0x1  }
0x2: {  	[smem:$0x3F9F] =	sst lr;
	_ =	strace $0xD0000000  }
0x3: {  	_ = 	snop  }
0x4: {  	_ = 	snop  }
0x5: {  	_ = 	snop  }
0x6: {  	_ = 	snop  }
0x7: {  	_ = 	snop  }
__scs_overlays_trampoline_lowered:
0x8: {  	[smem:$0x3FAE] =	sst s0  }
0x9: {  	[smem:$0x3FAF] =	sst s1  }
0xa: {  	[smem:$0x3FB0] =	sst s2  }
0xb: {  	[smem:$0x3FB1] =	sst s3  }
0xc: {  	[smem:$0x3FB2] =	sst s4  }
0xd: {  	[smem:$0x3FB3] =	sst s5  }
0xe: {  	[smem:$0x3FB4] =	sst s6  }
0xf: {  	[smem:$0x3FB5] =	sst s7  }
0x10: {  	[smem:$0x3FB6] =	sst s8  }
0x11: {  	[smem:$0x3FB7] =	sst s9;
	s0 =	simm.s32 @!p0 $0x0  }
0x12: {  	s1 =	sld [smem:$0x3F9D];
	s0 =	simm.s32 @p0 $0x1  }
0x13: {  	[smem:$0x3FB8] =	sst s0;
	s0 =	simm.s32 @!p1 $0x0  }
0x14: {  	s2 =	sld [smem:$0x3F9C];
	s0 =	simm.s32 @p1 $0x1  }
0x15: {  	[smem:$0x3FB9] =	sst s0;
	s0 =	simm.s32 @!p2 $0x0  }
0x16: {  	s3 =	sld [smem:$0x3FDB];
	s0 =	simm.s32 @p2 $0x1  }
0x17: {  	s4 =	simm.s32 $0x1BF5;
	[smem:$0x3FBB] =	sst s0  }
0x18: {  	s0 =	sld [smem:$0x3F9E];
	_ =	swait.ge [sflag:s4], $0x0  }
0x19: {  	s7 =	sld [smem:$0x3F9F]  }
0x1a: {  	s8 =	sadd.s32 $0xFFFFE003, lr  }
0x1b: {  	s9 =	sadd.s32 $0xFFFFFEF7, lr;
	s5 =	simm.s32 $0xFFFFFFFF;
	p2 =	slt.u32 s8, $0xFFFFF086  }
0x1c: {  	p1 =	slt.u32 s9, $0xF7A;
	s5 =	simm.s32 @!p2 $0x0  }
0x1d: {  	s5 =	simm.s32 @p1 $0x1;
	p0 =	seq.s32 s7, s2  }
0x1e: {  	s7 =	smul.u32 @!p0 $0xF7A, s2;
	p2 =	seq.s32 @!p0 s5, $0x0  }
0x1f: {  	s9 =	smul.u32 $0xF7A, s1;
	s8 =	simm.s32 @!p0 $0x1BF5;
	p2 =	por !p2, p0  }
0x20: {  	[sflag:s8] =	ssyncset.s32 @!p0 $0xFFFFF086;
	s6 =	sadd.s32 @!p0 s3, s7;
	s7 =	simm.s32 @!p0 $0x108  }
0x21: {  	s3 =	sadd.s32 s3, s9;
	s6 =	sadd.s32 @!p0 $0x88, s6;
	s7 =	simm.s32 @p2 $0x1082  }
0x22: {  	[simem:s7], [sflag:s8] =	dma.local @!p0 [hbm:s6], $0xF7A  }
0x23: {  	s9 =	sor.u32 $0xD0000000, s2;
	s6 =	simm.s32 $0x108;
	_ =	swait.ge @!p0 [sflag:s8], $0x0  }
0x24: {  	s3 =	sadd.s32 $0x88, s3;
	s6 =	simm.s32 @!p1 $0x1082;
	[sflag:s4] =	ssyncset.s32 $0xFFFFF086  }
0x25: {  	[simem:s6], [sflag:s4] =	dma.local [hbm:s3], $0xF7A  }
0x26: {  	[smem:$0x3F9F] =	sst s1;
	(tag) =	ssettag s2;
	_ =	strace s9  }
0x27: {  	s1 =	sld [smem:$0x3FAF]  }
0x28: {  	s2 =	sld [smem:$0x3FB0]  }
0x29: {  	s4 =	sld [smem:$0x3FB2]  }
0x2a: {  	p0 =	seq.s32 s5, $0x0;
	s5 =	sld [smem:$0x3FB3]  }
0x2b: {  	s6 =	sld [smem:$0x3FB4]  }
0x2c: {  	s7 =	sld [smem:$0x3FB5]  }
0x2d: {  	s3 =	simm.s32 $0x108;
	s8 =	sld [smem:$0x3FB6]  }
0x2e: {  	s3 =	simm.s32 @!p0 $0x1082;
	s9 =	sld [smem:$0x3FB7]  }
0x2f: {  	lr =	sadd.s32 s0, s3;
	s0 =	sld [smem:$0x3FAE]  }
0x30: {  	s3 =	sld [smem:$0x3FB1]  }
0x31: {  	[smem:$0x3FBA] =	sst s10  }
0x32: {  	s10 =	sld [smem:$0x3FB8];
	_ =	sdelay $0x3  }
0x33: {  	p0 =	seq.s32 s10, $0x1;
	s10 =	sld [smem:$0x3FBA];
	_ =	sdelay $0x3  }
0x34: {  	[smem:$0x3FBA] =	sst s10  }
0x35: {  	s10 =	sld [smem:$0x3FB9];
	_ =	sdelay $0x3  }
0x36: {  	p1 =	seq.s32 s10, $0x1;
	s10 =	sld [smem:$0x3FBA];
	_ =	sdelay $0x3  }
0x37: {  	[smem:$0x3FBA] =	sst s10  }
0x38: {  	s10 =	sld [smem:$0x3FBB]  }
0x39: {  	_ = 	snop;
	(pc) =	sbr.ind lr, $3  }
0x3a: {  	_ = 	snop  }
0x3b: {  	_ = 	snop  }
0x3c: {  	p2 =	seq.s32 s10, $0x1;
	s10 =	sld [smem:$0x3FBA]  }
0x3d: {  	_ =	shalt  }
0x3e: {  	_ =	shalt  }
0x3f: {  	_ =	shalt  }
0x40: {  	_ =	shalt  }
0x41: {  	_ =	shalt  }
0x42: {  	_ =	shalt  }
0x43: {  	_ =	shalt  }
0x44: {  	_ =	shalt  }
0x45: {  	_ =	shalt  }
0x46: {  	_ =	shalt  }
0x47: {  	_ =	shalt  }
0x48: {  	_ =	shalt  }
0x49: {  	_ =	shalt  }
0x4a: {  	_ =	shalt  }
0x4b: {  	_ =	shalt  }
0x4c: {  	_ =	shalt  }
0x4d: {  	_ =	shalt  }
0x4e: {  	_ =	shalt  }
0x4f: {  	_ =	shalt  }
0x50: {  	_ =	shalt  }
0x51: {  	_ =	shalt  }
0x52: {  	_ =	shalt  }
0x53: {  	_ =	shalt  }
0x54: {  	_ =	shalt  }
0x55: {  	_ =	shalt  }
0x56: {  	_ =	shalt  }
0x57: {  	_ =	shalt  }
0x58: {  	_ =	shalt  }
0x59: {  	_ =	shalt  }
0x5a: {  	_ =	shalt  }
0x5b: {  	_ =	shalt  }
0x5c: {  	_ =	shalt  }
0x5d: {  	_ =	shalt  }
0x5e: {  	_ =	shalt  }
0x5f: {  	_ =	shalt  }
0x60: {  	_ =	shalt  }
0x61: {  	_ =	shalt  }
0x62: {  	_ =	shalt  }
0x63: {  	_ =	shalt  }
0x64: {  	_ =	shalt  }
0x65: {  	_ =	shalt  }
0x66: {  	_ =	shalt  }
0x67: {  	_ =	shalt  }
0x68: {  	_ =	shalt  }
0x69: {  	_ =	shalt  }
0x6a: {  	_ =	shalt  }
0x6b: {  	_ =	shalt  }
0x6c: {  	_ =	shalt  }
0x6d: {  	_ =	shalt  }
0x6e: {  	_ =	shalt  }
0x6f: {  	_ =	shalt  }
0x70: {  	_ =	shalt  }
0x71: {  	_ =	shalt  }
0x72: {  	_ =	shalt  }
0x73: {  	_ =	shalt  }
0x74: {  	_ =	shalt  }
0x75: {  	_ =	shalt  }
0x76: {  	_ =	shalt  }
0x77: {  	_ =	shalt  }
0x78: {  	_ =	shalt  }
0x79: {  	_ =	shalt  }
0x7a: {  	_ =	shalt  }
0x7b: {  	_ =	shalt  }
0x7c: {  	_ =	shalt  }
0x7d: {  	_ =	shalt  }
0x7e: {  	_ =	shalt  }
0x7f: {  	_ =	shalt  }
0x80: {  	_ =	shalt  }
0x81: {  	_ =	shalt  }
0x82: {  	_ =	shalt  }
0x83: {  	_ =	shalt  }
0x84: {  	_ =	shalt  }
0x85: {  	_ =	shalt  }
0x86: {  	_ =	shalt  }
0x87: {  	_ =	shalt  }
.Lfunc_end0:
.L_simem_size_0:
called_computation_lowered:
.L_overlay_start_0:
0x88: {  	s2 =	sld [smem:$0x3FD9]  }
0x89: {  	s3 =	sld [smem:$0x3FFE];
	_ =	sdelay $0x1  }
0x8a: {  	s1 =	srdreg.scid  }
0x8b: {  	s0 =	sand.u32 $0x1, s1  }
0x8c: {  	s17 =	sshll.u32 s0, $0xA;
	s2 =	sadd.s32 s3, s2  }
0x8d: {  	s2 =	sadd.s32 s2, s17  }
0x8e: {  	[smem:$0x3FC6] =	sst s2  }
0x8f: {  	_ = 	snop  }
0x90: {  	s2 =	sld [smem:$0x3FD0];
	(tm) =	ssettm $0x1  }
0x91: {  	s18 =	sld [smem:$0x3FFB];
	_ =	sdelay $0x3  }
0x92: {  	_ =	strace s18  }
0x93: {  	s3 =	sld [smem:$0x3FFC];
	_ =	sdelay $0x3  }
0x94: {  	_ =	strace s3  }
0x95: {  	s3 =	sld [smem:$0x3FFD];
	_ =	sdelay $0x3  }
0x96: {  	_ =	strace s3  }
0x97: {  	_ =	strace $0x8FFFFFFF  }
0x98: {  	s19 =	sld [smem:$0x3FDB];
	_ =	sdelay $0x1  }
0x99: {  	s4 =	simm.s32 $_scs_section_size  }
0x9a: {  	s5 =	simm.s32 $_size__tile_overlayer_lowered;
	s6 =	simm.s32 $_tile_overlayer_lowered  }
0x9b: {  	s22 =	simm.s32 $0x1BFF;
	s21 =	sshll.u32 s6, $0x1;
	s3 =	sadd.s32 s4, s19  }
0x9c: {  	s7 =	simm.s32 $0x0;
	s20 =	sshll.u32 s5, $0x1;
	s5 =	sadd.s32 s21, s3  }
0x9d: {  	[timem:s7], [sflag:s22] =	dma.local [hbm:s5], s20  }
0x9e: {  	_ =	swait.ge [sflag:s22], s20  }
0x9f: {  	s4 =	ssub.s32 $0x0, s20;
	[sflag:s22] =	ssyncset.done $0x0  }
0xa0: {  	[sflag:s22] =	ssyncadd.s32 s4;
	_ =	sdelay $0x1  }
0xa1: {  	s23 =	simm.s32 $0x1B8B  }
0xa2: {  	_ =	swait.ge [sflag:s23], $0x1  }
0xa3: {  	[sflag:s23] =	ssyncset.done $0x0  }
0xa4: {  	s25 =	simm.s32 $0x1B8E;
	s24 =	sld [smem:$0x3FFE];
	[sflag:s23] =	ssyncadd.s32 $0xFFFFFFFF  }
0xa5: {  	s26 =	simm.s32 $execute0_lowered;
	[smem:$0x3FD2] =	sst s25  }
0xa6: {  	s5 =	sshll.u32 s26, $0x1;
	_ =	strace $0x80000046;
	[dreg:$0x1] =	wrdreg $0xFFFFFFFF  }
0xa7: {  	s28 =	simm.s32 $_size_execute0_lowered;
	s3 =	sadd.s32 s3, s5;
	[dreg:$0x0] =	wrdreg $0x0  }
0xa8: {  	s5 =	sshll.u32 s28, $0x1;
	[dreg:$0x2] =	wrdreg s3  }
0xa9: {  	[dreg:$0x3] =	wrdreg s5  }
0xaa: {  	[dreg:$0x4] =	wrdreg $0xC0  }
0xab: {  	_ =	task [dreg:s7], $0x5FFFF  }
0xac: {  	[dreg:$0x1] =	wrdreg $0xFFFFFFFF  }
0xad: {  	[dreg:$0x0] =	wrdreg $0x60  }
0xae: {  	[dreg:$0x2] =	wrdreg s24  }
0xaf: {  	[dreg:$0x3] =	wrdreg s2  }
0xb0: {  	[dreg:$0x4] =	wrdreg $0xD0000  }
0xb1: {  	[dreg:$0x5] =	wrdreg $0x9  }
0xb2: {  	_ =	task.clear_ibuf [dreg:s7], $0x6FFFF;
	_ =	strace $0x90000046  }
0xb3: {  	s29 =	simm.s32 $0x9;
	_ =	strace $0x80000048  }
0xb4: {  	_ =	swait.ge [sflag:s29], $0x1  }
0xb5: {  	[sflag:s29] =	ssyncadd.s32 $0xFFFFFFFF  }
0xb6: {  	_ =	strace $0x90000048  }
0xb7: {  	_ =	sfence  }
0xb8: {  	s30 =	sld [smem:$0x0];
	_ =	sdelay $0x2  }
0xb9: {  	s31 =	sshll.u32 s1, $0xD;
	s1 =	sshrl.u32 s1, $0x2  }
0xba: {  	s3 =	sand.u32 $0x4000, s31;
	s1 =	sadd.s32 s1, s30  }
0xbb: {  	s0 =	sor.u32 s3, s0;
	s1 =	sshll.u32 s1, $0x11  }
0xbc: {  	s0 =	sor.u32 s1, s0  }
0xbd: {  	s0 =	sadd.s32 $0x8F2B, s0  }
0xbe: {  	[sflag:s0] =	ssyncadd.remote.s32 $0x1  }
0xbf: {  	_ =	sfence.sel $0xFFFF  }
0xc0: {  	[dreg:$0x0] =	wrdreg $0xFFFFFFFF;
	(pc) =	sbr.abs _section_cstart, $3  }
0xc1: {  	[dreg:$0x1] =	wrdreg $0xFFFFFFFF  }
0xc2: {  	_ =	task.clear_ibuf [dreg:s7], $0x2FFFF;
	_ =	strace $0x9FFFFFFF  }
0xc3: {  	(tm) =	ssettm $0x7FFFFFFF  }
tec
execute0_lowered:
.L_overlay_start_1:
0x0: {  	(tag) =	ssettag $0x1  }
0x1: {  	s0 =	rddreg [dreg:$0x0]  }
0x2: {  	s2 =	rddreg [dreg:$0x2];
	s1 =	simm.s32 $0x0;
	s3 =	srdreg.scid  }
0x3: {  	s5 =	stileid.u32;
	[smem:$0x7FF] =	sst s1;
	s20 =	sadd.s32 $0xF4000, s2  }
0x4: {  	s22 =	sadd.s32 $0xF4080, s2;
	_ =	strace $0x80000047;
	[dreg:$0xf] =	wrdreg s20  }
0x5: {  	s3 =	sand.u32 $0x1, s3;
	s24 =	sadd.s32 $0xF4100, s2;
	[dreg:$0x11] =	wrdreg s22  }
0x6: {  	s4 =	sshll.u32 s5, $0x7;
	s26 =	sadd.s32 $0xF4180, s2;
	[dreg:$0x13] =	wrdreg s24  }
0x7: {  	s9 =	sadd.s32 $0xD400, s0;
	s29 =	sadd.s32 $0xF4200, s2;
	[dreg:$0x16] =	wrdreg s26  }
0x8: {  	s8 =	sshll.u32 s5, $0xD;
	s10 =	smul.u32 $0x7A000, s5;
	[dreg:$0x18] =	wrdreg s29  }
0x9: {  	s11 =	smul.u32 $0x3D000, s5;
	[dreg:$0xd] =	wrdreg s8;
	s31 =	sor.u32 $0x680000, s8  }
0xa: {  	p0 =	sne.s32 s5, $0x0;
	s5 =	simm.s32 $0x7;
	[dreg:$0x1a] =	wrdreg s31  }
0xb: {  	s6 =	ssub.s32 $0x2, s3;
	s20 =	sor.u32 $0xC00, s10;
	[dreg:$0x14] =	wrdreg s10  }
0xc: {  	s7 =	smul.u32 $0xF42800, s3;
	s26 =	sor.u32 $0x800, s10;
	[dreg:$0x1d] =	wrdreg s20  }
0xd: {  	s4 =	sadd.s32 s4, s0;
	s29 =	sor.u32 $0x400, s10;
	[smem:$0x7F9] =	sst s26  }
0xe: {  	s17 =	sshrl.u32 s6, $0x1;
	s31 =	sadd.s32 $0x3D000, s10;
	[smem:$0x7FB] =	sst s29  }
0xf: {  	s8 =	sadd.s32 $0x400, s4;
	s0 =	ssub.s32 s6, s17;
	[smem:$0x7FD] =	sst s31  }
0x10: {  	s6 =	sshll.u32 s3, $0x4;
	s18 =	sshrl.u32 s7, $0x3;
	[dreg:$0x1b] =	wrdreg s8  }
0x11: {  	s30 =	sadd.s32 s10, s7;
	s0 =	smax.u32 s0, $0x1;
	[dreg:$0xc] =	wrdreg s6  }
0x12: {  	s19 =	sadd.s32 s9, s18;
	s18 =	sshrl.u32 s30, $0x3;
	[dreg:$0xe] =	wrdreg s0  }
0x13: {  	s4 =	sshrl.u32 s11, $0x2;
	s21 =	sadd.s32 $0xF4000, s19;
	[dreg:$0x4] =	wrdreg s18  }
0x14: {  	s16 =	sadd.s32 s2, s4;
	s23 =	sadd.s32 $0xF4080, s19;
	[dreg:$0x10] =	wrdreg s21  }
0x15: {  	s7 =	sadd.s32 $0x800, s30;
	s25 =	sadd.s32 $0xF4100, s19;
	[dreg:$0x12] =	wrdreg s23  }
0x16: {  	s13 =	sadd.s32 $0x3D400, s30;
	s28 =	sadd.s32 $0xF4180, s19;
	[dreg:$0x15] =	wrdreg s25  }
0x17: {  	s14 =	sadd.s32 $0xC00, s30;
	s0 =	sadd.s32 $0xF4200, s19;
	[dreg:$0x17] =	wrdreg s28  }
0x18: {  	s15 =	sadd.s32 $0x3D000, s30;
	s3 =	sshrl.u32 s7, $0x3;
	[dreg:$0x19] =	wrdreg s0  }
0x19: {  	s7 =	sor.u32 $0x400, s30;
	s17 =	sshrl.u32 s15, $0x3;
	[dreg:$0x8] =	wrdreg s3  }
0x1a: {  	s22 =	sshrl.u32 s14, $0x3;
	s12 =	sshrl.u32 s7, $0x3;
	[dreg:$0x5] =	wrdreg s17  }
0x1b: {  	s19 =	sadd.s32 $0x3DC00, s30;
	s7 =	sshrl.u32 s13, $0x3;
	[dreg:$0x6] =	wrdreg s12  }
0x1c: {  	s3 =	sadd.s32 $0x7B80, s16;
	s0 =	sadd.s32 $0x3D800, s30;
	[dreg:$0x7] =	wrdreg s7  }
.Ltmp0:
0x1d: {  	s21 =	sor.u32 $0x1, s6;
	[dreg:$0x1c] =	wrdreg s3;
	(pc) =	sbr.rel .LBB2_1-.Ltmp0, $4  }
0x1e: {  	s24 =	sshrl.u32 s19, $0x3;
	s23 =	sadd.s32 $0x3DC00, s10;
	[dreg:$0x1e] =	wrdreg s21  }
0x1f: {  	s28 =	sadd.s32 $0x3D800, s10;
	s30 =	sadd.s32 $0x3D400, s10;
	[dreg:$0x1f] =	wrdreg s23  }
0x20: {  	s10 =	simm.s32 $0x80;
	s25 =	sshrl.u32 s0, $0x3;
	[smem:$0x7FA] =	sst s28  }
0x21: {  	[smem:$0x7FC] =	sst s30;
	s12 =	simm.s32 $0x400;
	s3 =	simm.s32 $0x0  }
.LBB2_11:
0x22: {  	[bflag:$0x0] =	sbarrier.arrive $0xFFFF  }
.LBB2_15:
0x23: {  	s0 =	simm.s32 $0x3  }
0x24: {  	_ =	swait.ge [sflag:s0], $0x3400  }
0x25: {  	[sflag:s0] =	ssyncset.done $0x0  }
0x26: {  	s1 =	simm.s32 $0x4;
	[sflag:s0] =	ssyncadd.s32 $0xFFFFCC00  }
0x27: {  	_ =	swait.ge [sflag:s1], $0x3400  }
0x28: {  	s3 =	sld [smem:$0x7F8];
	_ =	sdelay $0x2  }
0x29: {  	s31 =	rddreg [dreg:$0xe];
	s3 =	sadd.s32 $0x1, s3  }
0x2a: {  	p1 =	sne.s32 s3, s31  }
.Ltmp1:
0x2b: {  	_ = 	snop;
	(pc) =	sbr.rel @!p1 .LBB2_16-.Ltmp1, $3  }
0x2c: {  	_ =	sdelay $0x1  }
0x2d: {  	s5 =	simm.s32 $0x7;
	[sflag:s1] =	ssyncset.done $0x0  }
0x2e: {  	s8 =	rddreg [dreg:$0x1b];
	[sflag:s1] =	ssyncadd.s32 $0xFFFFCC00;
	s1 =	simm.s32 $0x0  }
.LBB2_1:
0x2f: {  	[smem:$0x7F8] =	sst s3;
	s0 =	simm.s32 $0x0;
	s3 =	simm.s32 $0x0  }
.LBB2_2:
0x30: {  	p1 =	sne.s32 s3, $0xC800  }
.Ltmp2:
0x31: {  	s4 =	sadd.s32 s3, s8;
	(pc) =	sbr.rel @p1 .LBB2_2-.Ltmp2, $4  }
0x32: {  	[tilespmem:s0], [sflag:$0x7] =	stream.linear.gather [hbm4b:s4+s1], $0x400, $0x38;
	[tilespmem:$0x1C428] =	vst v63  }
0x33: {  	_ =	swait.ge [sflag:s5], $0x400  }
0x34: {  	[sflag:s5] =	ssyncset.done $0x0  }
0x35: {  	s3 =	sadd.s32 $0x800, s3;
	s0 =	sadd.s32 $0x400, s0;
	[sflag:s5] =	ssyncadd.s32 $0xFFFFFC00  }
0x36: {  	s5 =	rddreg [dreg:$0x1c]  }
0x37: {  	s0 =	rddreg [dreg:$0x4];
	s1 =	stileid.u32;
	s3 =	sadd.s32 $0xFFFF8480, s5  }
0x38: {  	s8 =	sadd.s32 s9, s25;
	s4 =	sshll.u32 s1, $0x6;
	s20 =	sshrl.u32 s3, $0x3  }
0x39: {  	s0 =	sadd.s32 s9, s0;
	s15 =	sor.u32 $0x1C05, s4;
	[smem:$0x7F4] =	sst s20  }
0x3a: {  	[spmem:s20], [sflag:s15] =	dma.local [hbm:s0], $0x10  }
0x3b: {  	s21 =	sadd.s32 $0xFFFFFE80, s5;
	s23 =	sadd.s32 $0xFFFF8500, s5;
	s0 =	rddreg [dreg:$0x5]  }
0x3c: {  	s17 =	sor.u32 $0x1C06, s4;
	s3 =	sshrl.u32 s21, $0x3;
	s0 =	sadd.s32 s9, s0  }
0x3d: {  	[spmem:s3], [sflag:s17] =	dma.local [hbm:s0], $0x10  }
0x3e: {  	s26 =	sadd.s32 $0xFFFFFF00, s5;
	s7 =	sadd.s32 $0xFFFF8580, s5;
	s0 =	rddreg [dreg:$0x6]  }
0x3f: {  	s13 =	sadd.s32 $0xFFFFFF80, s5;
	s3 =	sshrl.u32 s23, $0x3;
	s0 =	sadd.s32 s9, s0  }
0x40: {  	[spmem:s3], [sflag:s15] =	dma.local [hbm:s0], $0x10  }
0x41: {  	s31 =	sadd.s32 $0xFFFF8600, s5;
	s29 =	sshrl.u32 s7, $0x3;
	s0 =	rddreg [dreg:$0x7]  }
0x42: {  	s30 =	sshrl.u32 s13, $0x3;
	s3 =	sshrl.u32 s26, $0x3;
	s0 =	sadd.s32 s9, s0  }
0x43: {  	[spmem:s3], [sflag:s17] =	dma.local [hbm:s0], $0x10  }
0x44: {  	s7 =	sshrl.u32 s5, $0x3;
	s13 =	sadd.s32 s9, s22;
	s28 =	rddreg [dreg:$0x8]  }
0x45: {  	s14 =	sshrl.u32 s31, $0x3;
	[smem:$0x7F5] =	sst s29;
	s4 =	sadd.s32 s9, s28  }
0x46: {  	[spmem:s29], [sflag:s15] =	dma.local [hbm:s4], $0x10  }
0x47: {  	s0 =	simm.s32 $0x0;
	s3 =	sadd.s32 $0x200, s5;
	[smem:$0x7F6] =	sst s30  }
0x48: {  	[spmem:s30], [sflag:s17] =	dma.local [hbm:s8], $0x10  }
0x49: {  	s4 =	sadd.s32 $0x200, s9;
	s8 =	sadd.s32 s9, s24;
	[smem:$0x7F7] =	sst s31  }
.LBB2_4:
0x4a: {  	[spmem:s14], [sflag:s15] =	dma.local [hbm:s13], $0x10  }
0x4b: {  	s0 =	sadd.s32 $0x4, s0;
	s21 =	smov.u32 s3  }
0x4c: {  	[spmem:s7], [sflag:s17] =	dma.local [hbm:s8], $0x10  }
0x4d: {  	s23 =	sadd.s32 $0xFFFF8480, s3;
	s16 =	smov.u32 s4;
	s7 =	rddreg [dreg:$0x4]  }
0x4e: {  	s26 =	sadd.s32 $0xFFFFFE80, s3;
	s8 =	sshrl.u32 s23, $0x3;
	s7 =	sadd.s32 s4, s7  }
0x4f: {  	[spmem:s8], [sflag:s15] =	dma.local [hbm:s7], $0x10  }
0x50: {  	s28 =	sadd.s32 $0xFFFF8500, s3;
	s29 =	sadd.s32 $0xFFFFFF00, s3;
	s7 =	rddreg [dreg:$0x5]  }
0x51: {  	s3 =	sadd.s32 $0x200, s3;
	s8 =	sshrl.u32 s26, $0x3;
	s7 =	sadd.s32 s4, s7  }
0x52: {  	[spmem:s8], [sflag:s17] =	dma.local [hbm:s7], $0x10  }
0x53: {  	p1 =	slt.u32 s0, $0xF0;
	s13 =	sadd.s32 s16, s22;
	s7 =	rddreg [dreg:$0x6]  }
0x54: {  	s19 =	sadd.s32 $0xFFFF8580, s21;
	s8 =	sshrl.u32 s28, $0x3;
	s7 =	sadd.s32 s4, s7  }
0x55: {  	[spmem:s8], [sflag:s15] =	dma.local [hbm:s7], $0x10  }
0x56: {  	s20 =	sadd.s32 s16, s25;
	s14 =	sadd.s32 $0xFFFF8600, s21;
	s7 =	rddreg [dreg:$0x7]  }
0x57: {  	s19 =	sshrl.u32 s19, $0x3;
	s8 =	sshrl.u32 s29, $0x3;
	s30 =	sadd.s32 s16, s7  }
0x58: {  	[spmem:s8], [sflag:s17] =	dma.local [hbm:s30], $0x10  }
.Ltmp3:
0x59: {  	s14 =	sshrl.u32 s14, $0x3;
	s26 =	sadd.s32 $0xFFFFFF80, s21;
	(pc) =	sbr.rel @p1 .LBB2_4-.Ltmp3, $4  }
0x5a: {  	s31 =	sshrl.u32 s26, $0x3;
	s4 =	sadd.s32 $0x200, s4;
	s18 =	rddreg [dreg:$0x8]  }
0x5b: {  	s7 =	sshrl.u32 s21, $0x3;
	s8 =	sadd.s32 s16, s24;
	s16 =	sadd.s32 s16, s18  }
0x5c: {  	[spmem:s19], [sflag:s15] =	dma.local [hbm:s16], $0x10  }
0x5d: {  	[spmem:s31], [sflag:s17] =	dma.local [hbm:s20], $0x10  }
0x5e: {  	[spmem:s14], [sflag:s15] =	dma.local [hbm:s13], $0x10  }
0x5f: {  	s0 =	simm.s32 @p0 $0x5  }
0x60: {  	[spmem:s7], [sflag:s17] =	dma.local [hbm:s8], $0x10  }
0x61: {  	_ =	swait.ge @p0 [sflag:s0], $0xF40  }
0x62: {  	[sflag:s0] =	ssyncset.done @p0 $0x0  }
0x63: {  	[sflag:s0] =	ssyncadd.s32 @p0 $0xFFFFF0C0;
	s0 =	simm.s32 @p0 $0x6  }
0x64: {  	_ =	swait.ge @p0 [sflag:s0], $0xF40  }
0x65: {  	[sflag:s0] =	ssyncset.done @p0 $0x0  }
0x66: {  	[sflag:s0] =	ssyncadd.s32 @p0 $0xFFFFF0C0;
	s0 =	rddreg [dreg:$0xf]  }
0x67: {  	s1 =	rddreg [dreg:$0x10];
	s3 =	sshrl.u32 @!p0 s0, $0x3  }
0x68: {  	s0 =	simm.s32 @!p0 $0x1C05;
	[smem:$0x7EF] =	sst s3  }
0x69: {  	[spmem:s3], [sflag:s0] =	dma.local @!p0 [hbm:s1], $0x10  }
0x6a: {  	s1 =	rddreg [dreg:$0x11]  }
0x6b: {  	s3 =	sshrl.u32 @!p0 s1, $0x3;
	s1 =	rddreg [dreg:$0x12]  }
0x6c: {  	[smem:$0x7F0] =	sst s3  }
0x6d: {  	[spmem:s3], [sflag:s0] =	dma.local @!p0 [hbm:s1], $0x10  }
0x6e: {  	s1 =	rddreg [dreg:$0x13]  }
0x6f: {  	s3 =	sshrl.u32 @!p0 s1, $0x3;
	s1 =	rddreg [dreg:$0x15]  }
0x70: {  	[smem:$0x7F1] =	sst s3  }
0x71: {  	[spmem:s3], [sflag:s0] =	dma.local @!p0 [hbm:s1], $0x10  }
0x72: {  	s1 =	rddreg [dreg:$0x16]  }
0x73: {  	s3 =	sshrl.u32 @!p0 s1, $0x3;
	s1 =	rddreg [dreg:$0x17]  }
0x74: {  	[smem:$0x7F2] =	sst s3  }
0x75: {  	[spmem:s3], [sflag:s0] =	dma.local @!p0 [hbm:s1], $0x10  }
0x76: {  	s1 =	rddreg [dreg:$0x18]  }
0x77: {  	s3 =	sshrl.u32 @!p0 s1, $0x3;
	s1 =	rddreg [dreg:$0x19]  }
0x78: {  	[smem:$0x7F3] =	sst s3  }
0x79: {  	[spmem:s3], [sflag:s0] =	dma.local @!p0 [hbm:s1], $0x10  }
0x7a: {  	s0 =	simm.s32 @!p0 $0x5  }
0x7b: {  	_ =	swait.ge @!p0 [sflag:s0], $0xF40  }
0x7c: {  	[sflag:s0] =	ssyncset.done @!p0 $0x0  }
0x7d: {  	s3 =	simm.s32 @!p0 $0x6;
	[sflag:s0] =	ssyncadd.s32 @!p0 $0xFFFFF0C0  }
0x7e: {  	_ =	swait.ge @!p0 [sflag:s3], $0xF40  }
0x7f: {  	[sflag:s3] =	ssyncset.done @!p0 $0x0  }
0x80: {  	[sflag:s3] =	ssyncadd.s32 @!p0 $0xFFFFF0C0  }
0x81: {  	_ =	swait.ge @!p0 [sflag:s0], $0x50  }
0x82: {  	[sflag:s0] =	ssyncset.done @!p0 $0x0  }
0x83: {  	[sflag:s0] =	ssyncadd.s32 @!p0 $0xFFFFFFB0  }
0x84: {  	[bflag:$0x0] =	sbarrier.arrive $0xFFFF  }
0x85: {  	s29 =	simm.s32 $0x0;
	s11 =	simm.s32 $0x1;
	s21 =	rddreg [dreg:$0x1e]  }
.LBB2_6:
0x86: {  	s0 =	sshrl.u32 s21, $0x3;
	s28 =	sld [smem:$0x7FB]  }
0x87: {  	s1 =	sld [smem:$0x7FD];
	s3 =	smul.u32 $0x7A1400, s0  }
0x88: {  	s26 =	sshll.u32 s11, $0x7;
	s30 =	rddreg [dreg:$0x14]  }
0x89: {  	p1 =	seq.s32 s29, $0x0;
	s7 =	sand.u32 $0x380, s26;
	s0 =	sadd.s32 s3, s28  }
0x8a: {  	s5 =	rddreg [dreg:$0x1d];
	s4 =	sadd.s32 s3, s1;
	s0 =	sadd.s32 s7, s0  }
0x8b: {  	s8 =	sadd.s32 s3, s30;
	s4 =	sadd.s32 s7, s4;
	s0 =	sshrl.u32 s0, $0x3  }
0x8c: {  	s1 =	sadd.s32 s7, s8;
	s31 =	sshrl.u32 s4, $0x3;
	[dreg:$0xb] =	wrdreg s0  }
0x8d: {  	s20 =	simm.s32 $0x0;
	s4 =	sshrl.u32 s1, $0x3;
	[dreg:$0xa] =	wrdreg s31  }
0x8e: {  	s23 =	simm.s32 $0x6880;
	[dreg:$0x9] =	wrdreg s4;
	s0 =	simm.s32 @!p1 $0x3  }
0x8f: {  	s26 =	simm.s32 $0x80;
	s28 =	simm.s32 $0x6900;
	_ =	swait.ge @!p1 [sflag:s0], $0x3400  }
0x90: {  	s8 =	sadd.s32 s3, s5;
	[sflag:s0] =	ssyncset.done @!p1 $0x0;
	s13 =	rddreg [dreg:$0x1f]  }
0x91: {  	s14 =	sadd.s32 s3, s13;
	[sflag:s0] =	ssyncadd.s32 @!p1 $0xFFFFCC00;
	s13 =	simm.s32 @!p1 $0x4  }
0x92: {  	s30 =	simm.s32 $0x100;
	s4 =	sadd.s32 s7, s8;
	_ =	swait.ge @!p1 [sflag:s13], $0x3400  }
0x93: {  	s0 =	sshrl.u32 s4, $0x3;
	s16 =	sadd.s32 s7, s14;
	s18 =	sld [smem:$0x7F9]  }
0x94: {  	s14 =	simm.s32 $0x6800;
	[sflag:s13] =	ssyncset.done @!p1 $0x0;
	s31 =	sld [smem:$0x7FA]  }
0x95: {  	s4 =	sshrl.u32 s16, $0x3;
	s16 =	simm.s32 $0x180;
	[sflag:s13] =	ssyncadd.s32 @!p1 $0xFFFFCC00  }
0x96: {  	[tilespmem:s14], [sflag:$0x1] =	stream.indirect.gather [spmem:s2], $0x1, s20, s10, $0xb8;
	[tilespmem:$0x1C428] =	vst v63  }
0x97: {  	s20 =	simm.s32 $0x200;
	s19 =	sadd.s32 s3, s18;
	s5 =	sadd.s32 s3, s31  }
0x98: {  	[tilespmem:s23], [sflag:$0x1] =	stream.indirect.gather [spmem:s2], $0x1, s26, s10, $0xb8;
	[tilespmem:$0x1C428] =	vst v63  }
0x99: {  	s18 =	simm.s32 $0x6980;
	s31 =	simm.s32 $0x300;
	s23 =	sld [smem:$0x7FC]  }
0x9a: {  	s8 =	sadd.s32 s7, s19;
	s13 =	sadd.s32 s7, s5;
	s19 =	simm.s32 $0x6A00  }
0x9b: {  	[tilespmem:s28], [sflag:$0x1] =	stream.indirect.gather [spmem:s2], $0x1, s30, s10, $0xb8;
	[tilespmem:$0x1C428] =	vst v63  }
0x9c: {  	s26 =	simm.s32 $0x6A80;
	s8 =	sshrl.u32 s8, $0x3;
	s3 =	sadd.s32 s3, s23  }
0x9d: {  	[tilespmem:s18], [sflag:$0x1] =	stream.indirect.gather [spmem:s2], $0x1, s16, s10, $0xb8;
	[tilespmem:$0x1C428] =	vst v63  }
0x9e: {  	s28 =	simm.s32 $0x280;
	s30 =	simm.s32 $0x6B00;
	s3 =	sadd.s32 s7, s3  }
0x9f: {  	[tilespmem:s19], [sflag:$0x1] =	stream.indirect.gather [spmem:s2], $0x1, s20, s10, $0xb8;
	[tilespmem:$0x1C428] =	vst v63  }
0xa0: {  	s16 =	sshrl.u32 s13, $0x3;
	s7 =	simm.s32 $0x6B80;
	s13 =	simm.s32 $0x380  }
0xa1: {  	[tilespmem:s26], [sflag:$0x1] =	stream.indirect.gather [spmem:s2], $0x1, s28, s10, $0xb8;
	[tilespmem:$0x1C428] =	vst v63  }
0xa2: {  	s18 =	sshrl.u32 s3, $0x3;
	s3 =	simm.s32 $0x2000;
	s19 =	simm.s32 $0x400  }
0xa3: {  	[tilespmem:s30], [sflag:$0x1] =	stream.indirect.gather [spmem:s2], $0x1, s31, s10, $0xb8;
	[tilespmem:$0x1C428] =	vst v63  }
.LBB2_7:
0xa4: {  	[tilespmem:s7], [sflag:$0x1] =	stream.indirect.gather [spmem:s2], $0x1, s13, s10, $0xb8;
	[tilespmem:$0x1C428] =	vst v63  }
0xa5: {  	s7 =	smov.u32 s3  }
0xa6: {  	s20 =	sadd.s32 $0x1000, s3;
	s14 =	sshra.s32 s7, $0x2;
	s7 =	sadd.s32 $0x6800, s19  }
0xa7: {  	[tilespmem:s7], [sflag:$0x1] =	stream.indirect.gather [spmem:s2], $0x1, s19, s10, $0xb8;
	[tilespmem:$0x1C428] =	vst v63  }
0xa8: {  	p1 =	sne.s32 s3, $0xC000;
	s3 =	sadd.s32 $0x6880, s19;
	s7 =	sadd.s32 $0x80, s19  }
0xa9: {  	[tilespmem:s3], [sflag:$0x1] =	stream.indirect.gather [spmem:s2], $0x1, s7, s10, $0xb8;
	[tilespmem:$0x1C428] =	vst v63  }
0xaa: {  	s3 =	sadd.s32 $0x6900, s19;
	s7 =	sadd.s32 $0x100, s19  }
0xab: {  	[tilespmem:s3], [sflag:$0x1] =	stream.indirect.gather [spmem:s2], $0x1, s7, s10, $0xb8;
	[tilespmem:$0x1C428] =	vst v63  }
0xac: {  	s3 =	sadd.s32 $0x6980, s19;
	s7 =	sadd.s32 $0x180, s19  }
0xad: {  	[tilespmem:s3], [sflag:$0x1] =	stream.indirect.gather [spmem:s2], $0x1, s7, s10, $0xb8;
	[tilespmem:$0x1C428] =	vst v63  }
0xae: {  	s3 =	sadd.s32 $0x6A00, s19;
	s7 =	sadd.s32 $0x200, s19  }
0xaf: {  	[tilespmem:s3], [sflag:$0x1] =	stream.indirect.gather [spmem:s2], $0x1, s7, s10, $0xb8;
	[tilespmem:$0x1C428] =	vst v63  }
.Ltmp4:
0xb0: {  	s3 =	sadd.s32 $0x6A80, s19;
	s7 =	sadd.s32 $0x280, s19;
	(pc) =	sbr.rel @p1 .LBB2_7-.Ltmp4, $4  }
0xb1: {  	[tilespmem:s3], [sflag:$0x1] =	stream.indirect.gather [spmem:s2], $0x1, s7, s10, $0xb8;
	[tilespmem:$0x1C428] =	vst v63  }
0xb2: {  	s13 =	sadd.s32 $0x380, s19;
	s3 =	sadd.s32 $0x6B00, s19;
	s7 =	sadd.s32 $0x300, s19  }
0xb3: {  	[tilespmem:s3], [sflag:$0x1] =	stream.indirect.gather [spmem:s2], $0x1, s7, s10, $0xb8;
	[tilespmem:$0x1C428] =	vst v63  }
0xb4: {  	s7 =	sadd.s32 $0x6B80, s19;
	s19 =	smov.u32 s14;
	s3 =	smov.u32 s20  }
0xb5: {  	[tilespmem:s7], [sflag:$0x1] =	stream.indirect.gather [spmem:s2], $0x1, s13, s10, $0xb8;
	[tilespmem:$0x1C428] =	vst v63  }
0xb6: {  	s3 =	sadd.s32 $0x6800, s19  }
0xb7: {  	[tilespmem:s3], [sflag:$0x1] =	stream.indirect.gather [spmem:s2], $0x1, s19, s10, $0xb8;
	[tilespmem:$0x1C428] =	vst v63  }
0xb8: {  	s20 =	sadd.s32 $0x6880, s19;
	s23 =	sadd.s32 $0x80, s19  }
0xb9: {  	[tilespmem:s20], [sflag:$0x1] =	stream.indirect.gather [spmem:s2], $0x1, s23, s10, $0xb8;
	[tilespmem:$0x1C428] =	vst v63  }
0xba: {  	s26 =	sadd.s32 $0x6900, s19;
	s28 =	sadd.s32 $0x100, s19  }
0xbb: {  	[tilespmem:s26], [sflag:$0x1] =	stream.indirect.gather [spmem:s2], $0x1, s28, s10, $0xb8;
	[tilespmem:$0x1C428] =	vst v63  }
0xbc: {  	s30 =	sadd.s32 $0x6980, s19;
	s31 =	sadd.s32 $0x180, s19  }
0xbd: {  	[tilespmem:s30], [sflag:$0x1] =	stream.indirect.gather [spmem:s2], $0x1, s31, s10, $0xb8;
	[tilespmem:$0x1C428] =	vst v63  }
0xbe: {  	s1 =	sadd.s32 $0x6A00, s19;
	s5 =	sadd.s32 $0x200, s19  }
0xbf: {  	[tilespmem:s1], [sflag:$0x1] =	stream.indirect.gather [spmem:s2], $0x1, s5, s10, $0xb8;
	[tilespmem:$0x1C428] =	vst v63  }
0xc0: {  	s13 =	sadd.s32 $0x6A80, s19;
	s14 =	sadd.s32 $0x280, s19  }
0xc1: {  	[tilespmem:s13], [sflag:$0x1] =	stream.indirect.gather [spmem:s2], $0x1, s14, s10, $0xb8;
	[tilespmem:$0x1C428] =	vst v63  }
0xc2: {  	s20 =	sadd.s32 $0x6B00, s19;
	s23 =	sadd.s32 $0x300, s19  }
0xc3: {  	[tilespmem:s20], [sflag:$0x1] =	stream.indirect.gather [spmem:s2], $0x1, s23, s10, $0xb8;
	[tilespmem:$0x1C428] =	vst v63  }
0xc4: {  	s26 =	sadd.s32 $0x6B80, s19;
	s28 =	sadd.s32 $0x380, s19  }
0xc5: {  	[tilespmem:s26], [sflag:$0x1] =	stream.indirect.gather [spmem:s2], $0x1, s28, s10, $0xb8;
	[tilespmem:$0x1C428] =	vst v63  }
0xc6: {  	s30 =	simm.s32 $0x9C00;
	s31 =	simm.s32 $0x3400  }
0xc7: {  	[tilespmem:s30], [sflag:$0x2] =	stream.indirect.gather [spmem:s2], $0x1, s31, s10, $0xb8;
	[tilespmem:$0x1C428] =	vst v63  }
0xc8: {  	s1 =	simm.s32 $0x9C80;
	s5 =	simm.s32 $0x3480  }
0xc9: {  	[tilespmem:s1], [sflag:$0x2] =	stream.indirect.gather [spmem:s2], $0x1, s5, s10, $0xb8;
	[tilespmem:$0x1C428] =	vst v63  }
0xca: {  	s7 =	simm.s32 $0x9D00;
	s13 =	simm.s32 $0x3500  }
0xcb: {  	[tilespmem:s7], [sflag:$0x2] =	stream.indirect.gather [spmem:s2], $0x1, s13, s10, $0xb8;
	[tilespmem:$0x1C428] =	vst v63  }
0xcc: {  	s3 =	simm.s32 $0x2000;
	s19 =	simm.s32 $0x3580;
	s14 =	simm.s32 $0x9D80  }
0xcd: {  	[tilespmem:s14], [sflag:$0x2] =	stream.indirect.gather [spmem:s2], $0x1, s19, s10, $0xb8;
	[tilespmem:$0x1C428] =	vst v63  }
0xce: {  	s20 =	simm.s32 $0x9E00;
	s23 =	simm.s32 $0x3600;
	s26 =	simm.s32 $0x9E80  }
0xcf: {  	[tilespmem:s20], [sflag:$0x2] =	stream.indirect.gather [spmem:s2], $0x1, s23, s10, $0xb8;
	[tilespmem:$0x1C428] =	vst v63  }
0xd0: {  	s28 =	simm.s32 $0x3680;
	s30 =	simm.s32 $0x9F00;
	s31 =	simm.s32 $0x3700  }
0xd1: {  	[tilespmem:s26], [sflag:$0x2] =	stream.indirect.gather [spmem:s2], $0x1, s28, s10, $0xb8;
	[tilespmem:$0x1C428] =	vst v63  }
0xd2: {  	s7 =	simm.s32 $0x9F80;
	s13 =	simm.s32 $0x3780;
	s19 =	simm.s32 $0x400  }
0xd3: {  	[tilespmem:s30], [sflag:$0x2] =	stream.indirect.gather [spmem:s2], $0x1, s31, s10, $0xb8;
	[tilespmem:$0x1C428] =	vst v63  }
.LBB2_9:
0xd4: {  	[tilespmem:s7], [sflag:$0x2] =	stream.indirect.gather [spmem:s2], $0x1, s13, s10, $0xb8;
	[tilespmem:$0x1C428] =	vst v63  }
0xd5: {  	s7 =	smov.u32 s3  }
0xd6: {  	s14 =	sshra.s32 s3, $0x2;
	s13 =	sadd.s32 $0x3400, s19;
	s7 =	sadd.s32 $0x9C00, s19  }
0xd7: {  	[tilespmem:s7], [sflag:$0x2] =	stream.indirect.gather [spmem:s2], $0x1, s13, s10, $0xb8;
	[tilespmem:$0x1C428] =	vst v63  }
0xd8: {  	s20 =	sadd.s32 $0x1000, s3;
	s7 =	sadd.s32 $0x9C80, s19;
	s13 =	sadd.s32 $0x3480, s19  }
0xd9: {  	[tilespmem:s7], [sflag:$0x2] =	stream.indirect.gather [spmem:s2], $0x1, s13, s10, $0xb8;
	[tilespmem:$0x1C428] =	vst v63  }
0xda: {  	p1 =	sne.s32 s3, $0xC000;
	s3 =	sadd.s32 $0x9D00, s19;
	s7 =	sadd.s32 $0x3500, s19  }
0xdb: {  	[tilespmem:s3], [sflag:$0x2] =	stream.indirect.gather [spmem:s2], $0x1, s7, s10, $0xb8;
	[tilespmem:$0x1C428] =	vst v63  }
0xdc: {  	s3 =	sadd.s32 $0x9D80, s19;
	s7 =	sadd.s32 $0x3580, s19  }
0xdd: {  	[tilespmem:s3], [sflag:$0x2] =	stream.indirect.gather [spmem:s2], $0x1, s7, s10, $0xb8;
	[tilespmem:$0x1C428] =	vst v63  }
0xde: {  	s3 =	sadd.s32 $0x9E00, s19;
	s7 =	sadd.s32 $0x3600, s19  }
0xdf: {  	[tilespmem:s3], [sflag:$0x2] =	stream.indirect.gather [spmem:s2], $0x1, s7, s10, $0xb8;
	[tilespmem:$0x1C428] =	vst v63  }
.Ltmp5:
0xe0: {  	s3 =	sadd.s32 $0x9E80, s19;
	s7 =	sadd.s32 $0x3680, s19;
	(pc) =	sbr.rel @p1 .LBB2_9-.Ltmp5, $4  }
0xe1: {  	[tilespmem:s3], [sflag:$0x2] =	stream.indirect.gather [spmem:s2], $0x1, s7, s10, $0xb8;
	[tilespmem:$0x1C428] =	vst v63  }
0xe2: {  	s13 =	sadd.s32 $0x3780, s19;
	s3 =	sadd.s32 $0x9F00, s19;
	s7 =	sadd.s32 $0x3700, s19  }
0xe3: {  	[tilespmem:s3], [sflag:$0x2] =	stream.indirect.gather [spmem:s2], $0x1, s7, s10, $0xb8;
	[tilespmem:$0x1C428] =	vst v63  }
0xe4: {  	s7 =	sadd.s32 $0x9F80, s19;
	s19 =	smov.u32 s14;
	s3 =	smov.u32 s20  }
0xe5: {  	[tilespmem:s7], [sflag:$0x2] =	stream.indirect.gather [spmem:s2], $0x1, s13, s10, $0xb8;
	[tilespmem:$0x1C428] =	vst v63  }
0xe6: {  	s3 =	sadd.s32 $0x9C00, s19;
	s31 =	sadd.s32 $0x3400, s19;
	s1 =	sadd.s32 $0x9C80, s19  }
0xe7: {  	[tilespmem:s3], [sflag:$0x2] =	stream.indirect.gather [spmem:s2], $0x1, s31, s10, $0xb8;
	[tilespmem:$0x1C428] =	vst v63  }
0xe8: {  	s5 =	sadd.s32 $0x3480, s19;
	s13 =	sadd.s32 $0x9D00, s19;
	s14 =	sadd.s32 $0x3500, s19  }
0xe9: {  	[tilespmem:s1], [sflag:$0x2] =	stream.indirect.gather [spmem:s2], $0x1, s5, s10, $0xb8;
	[tilespmem:$0x1C428] =	vst v63  }
0xea: {  	s20 =	sadd.s32 $0x9D80, s19;
	s23 =	sadd.s32 $0x3580, s19;
	s26 =	sadd.s32 $0x9E00, s19  }
0xeb: {  	[tilespmem:s13], [sflag:$0x2] =	stream.indirect.gather [spmem:s2], $0x1, s14, s10, $0xb8;
	[tilespmem:$0x1C428] =	vst v63  }
0xec: {  	s28 =	sadd.s32 $0x3600, s19;
	s30 =	sadd.s32 $0x9E80, s19;
	s7 =	sadd.s32 $0x9F80, s19  }
0xed: {  	[tilespmem:s20], [sflag:$0x2] =	stream.indirect.gather [spmem:s2], $0x1, s23, s10, $0xb8;
	[tilespmem:$0x1C428] =	vst v63  }
0xee: {  	s31 =	sadd.s32 $0x3680, s19;
	s1 =	sadd.s32 $0x9F00, s19;
	s5 =	sadd.s32 $0x3700, s19  }
0xef: {  	[tilespmem:s26], [sflag:$0x2] =	stream.indirect.gather [spmem:s2], $0x1, s28, s10, $0xb8;
	[tilespmem:$0x1C428] =	vst v63  }
0xf0: {  	s13 =	sadd.s32 $0x3780, s19;
	s14 =	sor.u32 s6, s29;
	s19 =	sand.u32 $0x7, s29  }
0xf1: {  	[tilespmem:s30], [sflag:$0x2] =	stream.indirect.gather [spmem:s2], $0x1, s31, s10, $0xb8;
	[tilespmem:$0x1C428] =	vst v63  }
0xf2: {  	p1 =	seq.s32 s14, $0x0;
	p2 =	sne.s32 s19, $0x0  }
0xf3: {  	[tilespmem:s1], [sflag:$0x2] =	stream.indirect.gather [spmem:s2], $0x1, s5, s10, $0xb8;
	[tilespmem:$0x1C428] =	vst v63  }
0xf4: {  	p1 =	por !p1, !p2  }
0xf5: {  	[tilespmem:s7], [sflag:$0x2] =	stream.indirect.gather [spmem:s2], $0x1, s13, s10, $0xb8;
	[tilespmem:$0x1C428] =	vst v63  }
0xf6: {  	p1 =	por !p1, !p1;
	s13 =	simm.s32 $0x1  }
0xf7: {  	s3 =	sshrl.u32 s14, $0x3;
	s13 =	simm.s32 @!p1 $0x0  }
0xf8: {  	s23 =	simm.s32 $0x1;
	s3 =	ssub.s32 s3, s13  }
0xf9: {  	s1 =	rddreg [dreg:$0xd];
	_ =	swait.ge [sflag:s23], $0x3400;
	s3 =	sshll.u32 s3, $0x11  }
0xfa: {  	s7 =	sshll.u32 s19, $0x7;
	[sflag:s23] =	ssyncset.done $0x0;
	s20 =	sor.u32 s1, s3  }
0xfb: {  	[sflag:s23] =	ssyncadd.s32 $0xFFFFCC00;
	s13 =	sor.u32 s7, s20  }
0xfc: {  	s1 =	rddreg [dreg:$0x1];
	s14 =	sshrl.u32 s13, $0x3  }
0xfd: {  	s5 =	simm.s32 $0x6800;
	s26 =	sadd.s32 $0x80000, s13;
	s14 =	sadd.s32 s1, s14  }
0xfe: {  	[hbm4b:s14+s10] =	stream.strided.scatter [tilespmem:s5], [sflag:$0x3], $0x400, s12, s10, $0x38;
	[tilespmem:$0x1C428] =	vst v63  }
0xff: {  	s14 =	sshrl.u32 s26, $0x3  }
0x100: {  	s28 =	simm.s32 $0x6C00;
	s30 =	sadd.s32 $0x100000, s13;
	s14 =	sadd.s32 s1, s14  }
0x101: {  	[hbm4b:s14+s10] =	stream.strided.scatter [tilespmem:s28], [sflag:$0x3], $0x400, s12, s10, $0x38;
	[tilespmem:$0x1C428] =	vst v63  }
0x102: {  	s14 =	sshrl.u32 s30, $0x3  }
0x103: {  	s31 =	simm.s32 $0x7000;
	s5 =	sadd.s32 $0x180000, s13;
	s14 =	sadd.s32 s1, s14  }
0x104: {  	[hbm4b:s14+s10] =	stream.strided.scatter [tilespmem:s31], [sflag:$0x3], $0x400, s12, s10, $0x38;
	[tilespmem:$0x1C428] =	vst v63  }
0x105: {  	s14 =	sshrl.u32 s5, $0x3  }
0x106: {  	s19 =	simm.s32 $0x7400;
	s20 =	sadd.s32 $0x200000, s13;
	s14 =	sadd.s32 s1, s14  }
0x107: {  	[hbm4b:s14+s10] =	stream.strided.scatter [tilespmem:s19], [sflag:$0x3], $0x400, s12, s10, $0x38;
	[tilespmem:$0x1C428] =	vst v63  }
0x108: {  	s14 =	sshrl.u32 s20, $0x3  }
0x109: {  	s23 =	simm.s32 $0x7800;
	s26 =	sadd.s32 $0x280000, s13;
	s14 =	sadd.s32 s1, s14  }
0x10a: {  	[hbm4b:s14+s10] =	stream.strided.scatter [tilespmem:s23], [sflag:$0x3], $0x400, s12, s10, $0x38;
	[tilespmem:$0x1C428] =	vst v63  }
0x10b: {  	s14 =	sshrl.u32 s26, $0x3  }
0x10c: {  	s28 =	simm.s32 $0x7C00;
	s30 =	sadd.s32 $0x300000, s13;
	s14 =	sadd.s32 s1, s14  }
0x10d: {  	[hbm4b:s14+s10] =	stream.strided.scatter [tilespmem:s28], [sflag:$0x3], $0x400, s12, s10, $0x38;
	[tilespmem:$0x1C428] =	vst v63  }
0x10e: {  	s14 =	sshrl.u32 s30, $0x3  }
0x10f: {  	s31 =	simm.s32 $0x8000;
	s5 =	sadd.s32 $0x380000, s13;
	s14 =	sadd.s32 s1, s14  }
0x110: {  	[hbm4b:s14+s10] =	stream.strided.scatter [tilespmem:s31], [sflag:$0x3], $0x400, s12, s10, $0x38;
	[tilespmem:$0x1C428] =	vst v63  }
0x111: {  	s14 =	sshrl.u32 s5, $0x3  }
0x112: {  	s19 =	simm.s32 $0x8400;
	s20 =	sadd.s32 $0x400000, s13;
	s14 =	sadd.s32 s1, s14  }
0x113: {  	[hbm4b:s14+s10] =	stream.strided.scatter [tilespmem:s19], [sflag:$0x3], $0x400, s12, s10, $0x38;
	[tilespmem:$0x1C428] =	vst v63  }
0x114: {  	s14 =	sshrl.u32 s20, $0x3  }
0x115: {  	s23 =	simm.s32 $0x8800;
	s26 =	sadd.s32 $0x480000, s13;
	s14 =	sadd.s32 s1, s14  }
0x116: {  	[hbm4b:s14+s10] =	stream.strided.scatter [tilespmem:s23], [sflag:$0x3], $0x400, s12, s10, $0x38;
	[tilespmem:$0x1C428] =	vst v63  }
0x117: {  	s14 =	sshrl.u32 s26, $0x3  }
0x118: {  	s28 =	simm.s32 $0x8C00;
	s30 =	sadd.s32 $0x500000, s13;
	s14 =	sadd.s32 s1, s14  }
0x119: {  	[hbm4b:s14+s10] =	stream.strided.scatter [tilespmem:s28], [sflag:$0x3], $0x400, s12, s10, $0x38;
	[tilespmem:$0x1C428] =	vst v63  }
0x11a: {  	s31 =	simm.s32 $0x9000;
	s14 =	sshrl.u32 s30, $0x3  }
0x11b: {  	s5 =	sadd.s32 $0x580000, s13;
	s13 =	sadd.s32 $0x600000, s13;
	s14 =	sadd.s32 s1, s14  }
0x11c: {  	[hbm4b:s14+s10] =	stream.strided.scatter [tilespmem:s31], [sflag:$0x3], $0x400, s12, s10, $0x38;
	[tilespmem:$0x1C428] =	vst v63  }
0x11d: {  	s13 =	sshrl.u32 s13, $0x3;
	s19 =	simm.s32 $0x9400;
	s14 =	sshrl.u32 s5, $0x3  }
0x11e: {  	s13 =	sadd.s32 s1, s13;
	s23 =	rddreg [dreg:$0x1a];
	s14 =	sadd.s32 s1, s14  }
0x11f: {  	[hbm4b:s14+s10] =	stream.strided.scatter [tilespmem:s19], [sflag:$0x3], $0x400, s12, s10, $0x38;
	[tilespmem:$0x1C428] =	vst v63  }
0x120: {  	s20 =	simm.s32 $0x9800;
	s26 =	simm.s32 $0x2;
	s7 =	sor.u32 s23, s7  }
0x121: {  	[hbm4b:s13+s10] =	stream.strided.scatter [tilespmem:s20], [sflag:$0x3], $0x400, s12, s10, $0x38;
	[tilespmem:$0x1C428] =	vst v63  }
0x122: {  	s3 =	sadd.s32 s3, s7;
	_ =	swait.ge [sflag:s26], $0x3400  }
0x123: {  	s3 =	sshrl.u32 s3, $0x3;
	[sflag:s26] =	ssyncset.done $0x0  }
0x124: {  	s28 =	simm.s32 $0x9C00;
	s3 =	sadd.s32 s1, s3;
	[sflag:s26] =	ssyncadd.s32 $0xFFFFCC00  }
0x125: {  	[hbm4b:s3+s10] =	stream.strided.scatter [tilespmem:s28], [sflag:$0x4], $0x400, s12, s10, $0x38;
	[tilespmem:$0x1C428] =	vst v63  }
0x126: {  	s31 =	simm.s32 $0xA000;
	s30 =	sadd.s32 $0x10000, s3  }
0x127: {  	[hbm4b:s30+s10] =	stream.strided.scatter [tilespmem:s31], [sflag:$0x4], $0x400, s12, s10, $0x38;
	[tilespmem:$0x1C428] =	vst v63  }
0x128: {  	s5 =	sadd.s32 $0x20000, s3;
	s13 =	simm.s32 $0xA400  }
0x129: {  	[hbm4b:s5+s10] =	stream.strided.scatter [tilespmem:s13], [sflag:$0x4], $0x400, s12, s10, $0x38;
	[tilespmem:$0x1C428] =	vst v63  }
0x12a: {  	s14 =	sadd.s32 $0x30000, s3;
	s19 =	simm.s32 $0xA800  }
0x12b: {  	[hbm4b:s14+s10] =	stream.strided.scatter [tilespmem:s19], [sflag:$0x4], $0x400, s12, s10, $0x38;
	[tilespmem:$0x1C428] =	vst v63  }
0x12c: {  	s23 =	simm.s32 $0xAC00;
	s20 =	sadd.s32 $0x40000, s3  }
0x12d: {  	[hbm4b:s20+s10] =	stream.strided.scatter [tilespmem:s23], [sflag:$0x4], $0x400, s12, s10, $0x38;
	[tilespmem:$0x1C428] =	vst v63  }
0x12e: {  	s26 =	sadd.s32 $0x50000, s3;
	s28 =	simm.s32 $0xB000  }
0x12f: {  	[hbm4b:s26+s10] =	stream.strided.scatter [tilespmem:s28], [sflag:$0x4], $0x400, s12, s10, $0x38;
	[tilespmem:$0x1C428] =	vst v63  }
0x130: {  	s30 =	sadd.s32 $0x60000, s3;
	s31 =	simm.s32 $0xB400  }
0x131: {  	[hbm4b:s30+s10] =	stream.strided.scatter [tilespmem:s31], [sflag:$0x4], $0x400, s12, s10, $0x38;
	[tilespmem:$0x1C428] =	vst v63  }
0x132: {  	s1 =	sadd.s32 $0x70000, s3;
	s5 =	simm.s32 $0xB800  }
0x133: {  	[hbm4b:s1+s10] =	stream.strided.scatter [tilespmem:s5], [sflag:$0x4], $0x400, s12, s10, $0x38;
	[tilespmem:$0x1C428] =	vst v63  }
0x134: {  	s13 =	sadd.s32 $0x80000, s3;
	s14 =	simm.s32 $0xBC00  }
0x135: {  	[hbm4b:s13+s10] =	stream.strided.scatter [tilespmem:s14], [sflag:$0x4], $0x400, s12, s10, $0x38;
	[tilespmem:$0x1C428] =	vst v63  }
0x136: {  	s19 =	sadd.s32 $0x90000, s3;
	s20 =	simm.s32 $0xC000  }
0x137: {  	[hbm4b:s19+s10] =	stream.strided.scatter [tilespmem:s20], [sflag:$0x4], $0x400, s12, s10, $0x38;
	[tilespmem:$0x1C428] =	vst v63  }
0x138: {  	s23 =	sadd.s32 $0xA0000, s3;
	s26 =	simm.s32 $0xC400  }
0x139: {  	[hbm4b:s23+s10] =	stream.strided.scatter [tilespmem:s26], [sflag:$0x4], $0x400, s12, s10, $0x38;
	[tilespmem:$0x1C428] =	vst v63  }
0x13a: {  	p1 =	sne.s32 s29, $0xF;
	s28 =	sadd.s32 $0xB0000, s3;
	s30 =	simm.s32 $0xC800  }
0x13b: {  	[hbm4b:s28+s10] =	stream.strided.scatter [tilespmem:s30], [sflag:$0x4], $0x400, s12, s10, $0x38;
	[tilespmem:$0x1C428] =	vst v63  }
.Ltmp6:
0x13c: {  	_ = 	snop;
	(pc) =	sbr.rel @!p1 .LBB2_11-.Ltmp6, $3  }
0x13d: {  	s3 =	sadd.s32 $0xC0000, s3;
	s31 =	simm.s32 $0xCC00  }
0x13e: {  	[hbm4b:s3+s10] =	stream.strided.scatter [tilespmem:s31], [sflag:$0x4], $0x400, s12, s10, $0x38;
	[tilespmem:$0x1C428] =	vst v63  }
0x13f: {  	[bflag:$0x0] =	sbarrier.arrive $0xFFFF;
	_ =	sdelay $0x1  }
0x140: {  	[smem:$0x7ED] =	sst s21  }
0x141: {  	s1 =	sld [smem:$0x7F4]  }
0x142: {  	s3 =	rddreg [dreg:$0x9]  }
0x143: {  	[smem:$0x7EE] =	sst s11;
	s3 =	sadd.s32 s9, s3  }
0x144: {  	[spmem:s1], [sflag:s15] =	dma.local [hbm:s3], $0x10  }
0x145: {  	s1 =	rddreg [dreg:$0x1c]  }
0x146: {  	s3 =	rddreg [dreg:$0xa];
	s7 =	sadd.s32 $0xFFFFFE80, s1  }
0x147: {  	s23 =	sadd.s32 s9, s18;
	s3 =	sadd.s32 s9, s3;
	s7 =	sshrl.u32 s7, $0x3  }
0x148: {  	[spmem:s7], [sflag:s17] =	dma.local [hbm:s3], $0x10  }
0x149: {  	s14 =	sadd.s32 $0xFFFF8500, s1;
	s19 =	sadd.s32 $0xFFFFFF00, s1;
	s7 =	rddreg [dreg:$0xb]  }
0x14a: {  	s14 =	sshrl.u32 s14, $0x3;
	s19 =	sshrl.u32 s19, $0x3;
	s7 =	sadd.s32 s9, s7  }
0x14b: {  	[spmem:s14], [sflag:s15] =	dma.local [hbm:s7], $0x10  }
0x14c: {  	[spmem:s19], [sflag:s17] =	dma.local [hbm:s23], $0x10  }
0x14d: {  	s29 =	sadd.s32 $0x1, s29;
	s30 =	sld [smem:$0x7F5]  }
0x14e: {  	s21 =	sadd.s32 s9, s0;
	s20 =	sadd.s32 s6, s29;
	s5 =	sld [smem:$0x7F7]  }
0x14f: {  	s26 =	sadd.s32 s9, s8;
	s13 =	sshll.u32 s29, $0x7;
	s3 =	sshrl.u32 s20, $0x3  }
0x150: {  	[spmem:s30], [sflag:s15] =	dma.local [hbm:s26], $0x10  }
0x151: {  	s3 =	smul.u32 $0x7A1400, s3;
	s28 =	sshrl.u32 s5, $0x3;
	s5 =	sld [smem:$0x7F6]  }
0x152: {  	s31 =	smov.u32 s9;
	s13 =	sand.u32 $0x380, s13;
	s20 =	sadd.s32 s9, s16  }
0x153: {  	s7 =	sadd.s32 $0x200, s9;
	s14 =	sadd.s32 s9, s4;
	s19 =	sor.u32 s13, s3  }
0x154: {  	[spmem:s5], [sflag:s17] =	dma.local [hbm:s20], $0x10  }
0x155: {  	s13 =	simm.s32 $0x0;
	s3 =	sadd.s32 $0x200, s1;
	s20 =	sshrl.u32 s1, $0x3  }
0x156: {  	[spmem:s28], [sflag:s15] =	dma.local [hbm:s21], $0x10  }
.LBB2_13:
0x157: {  	[spmem:s20], [sflag:s17] =	dma.local [hbm:s14], $0x10  }
0x158: {  	s13 =	sadd.s32 $0x4, s13;
	s26 =	smov.u32 s3;
	s9 =	sadd.s32 $0xFFFF8480, s3  }
0x159: {  	s11 =	smov.u32 s7;
	s3 =	sadd.s32 $0x200, s3;
	s14 =	rddreg [dreg:$0x9]  }
0x15a: {  	p1 =	slt.u32 s13, $0xF0;
	s20 =	sshrl.u32 s9, $0x3;
	s21 =	sadd.s32 $0xFFFFFE80, s26  }
0x15b: {  	s9 =	sadd.s32 $0xFFFF8600, s26;
	s23 =	sadd.s32 $0xFFFF8500, s26;
	s1 =	sadd.s32 s11, s8  }
0x15c: {  	s5 =	sadd.s32 $0xFFFFFF00, s26;
	s30 =	sadd.s32 s11, s18;
	s14 =	sadd.s32 s7, s14  }
0x15d: {  	[spmem:s20], [sflag:s15] =	dma.local [hbm:s14], $0x10  }
0x15e: {  	s28 =	sshrl.u32 s21, $0x3;
	s7 =	sadd.s32 $0x200, s7;
	s14 =	rddreg [dreg:$0xa]  }
0x15f: {  	s21 =	sadd.s32 s11, s0;
	s9 =	sshrl.u32 s9, $0x3;
	s6 =	sadd.s32 s11, s14  }
0x160: {  	[spmem:s28], [sflag:s17] =	dma.local [hbm:s6], $0x10  }
0x161: {  	s23 =	sshrl.u32 s23, $0x3;
	s5 =	sshrl.u32 s5, $0x3;
	s6 =	rddreg [dreg:$0xb]  }
0x162: {  	s20 =	sshrl.u32 s26, $0x3;
	s14 =	sadd.s32 s11, s4;
	s6 =	sadd.s32 s11, s6  }
0x163: {  	[spmem:s23], [sflag:s15] =	dma.local [hbm:s6], $0x10  }
0x164: {  	[spmem:s5], [sflag:s17] =	dma.local [hbm:s30], $0x10  }
.Ltmp7:
0x165: {  	s28 =	sadd.s32 $0xFFFFFF80, s26;
	s26 =	sadd.s32 $0xFFFF8580, s26;
	(pc) =	sbr.rel @p1 .LBB2_13-.Ltmp7, $4  }
0x166: {  	s23 =	sshrl.u32 s26, $0x3;
	s26 =	sadd.s32 s11, s16;
	s30 =	sshrl.u32 s28, $0x3  }
0x167: {  	[spmem:s23], [sflag:s15] =	dma.local [hbm:s1], $0x10  }
0x168: {  	[spmem:s30], [sflag:s17] =	dma.local [hbm:s26], $0x10  }
0x169: {  	[spmem:s9], [sflag:s15] =	dma.local [hbm:s21], $0x10  }
0x16a: {  	[spmem:s20], [sflag:s17] =	dma.local [hbm:s14], $0x10  }
0x16b: {  	s0 =	simm.s32 @p0 $0x5  }
0x16c: {  	_ =	swait.ge @p0 [sflag:s0], $0xF40  }
0x16d: {  	[sflag:s0] =	ssyncset.done @p0 $0x0  }
0x16e: {  	[sflag:s0] =	ssyncadd.s32 @p0 $0xFFFFF0C0;
	s0 =	simm.s32 @p0 $0x6  }
0x16f: {  	_ =	swait.ge @p0 [sflag:s0], $0xF40  }
0x170: {  	s1 =	sshrl.u32 @!p0 s19, $0x3;
	s4 =	sld [smem:$0x7EF]  }
0x171: {  	s1 =	sadd.s32 @!p0 s31, s1;
	[sflag:s0] =	ssyncset.done @p0 $0x0  }
0x172: {  	s3 =	simm.s32 @!p0 $0x1C05;
	[sflag:s0] =	ssyncadd.s32 @p0 $0xFFFFF0C0;
	s0 =	sadd.s32 @!p0 $0xF4000, s1  }
0x173: {  	[spmem:s4], [sflag:s3] =	dma.local @!p0 [hbm:s0], $0x10  }
0x174: {  	s4 =	sld [smem:$0x7F0];
	_ =	sdelay $0x1  }
0x175: {  	s0 =	sadd.s32 @!p0 $0xF4080, s1  }
0x176: {  	[spmem:s4], [sflag:s3] =	dma.local @!p0 [hbm:s0], $0x10  }
0x177: {  	s4 =	sld [smem:$0x7F1];
	_ =	sdelay $0x1  }
0x178: {  	s0 =	sadd.s32 @!p0 $0xF4100, s1  }
0x179: {  	[spmem:s4], [sflag:s3] =	dma.local @!p0 [hbm:s0], $0x10  }
0x17a: {  	s4 =	sld [smem:$0x7F2];
	_ =	sdelay $0x1  }
0x17b: {  	s0 =	sadd.s32 @!p0 $0xF4180, s1  }
0x17c: {  	[spmem:s4], [sflag:s3] =	dma.local @!p0 [hbm:s0], $0x10  }
0x17d: {  	s0 =	sadd.s32 @!p0 $0xF4200, s1;
	s1 =	sld [smem:$0x7F3];
	_ =	sdelay $0x2  }
0x17e: {  	[spmem:s1], [sflag:s3] =	dma.local @!p0 [hbm:s0], $0x10  }
0x17f: {  	s0 =	simm.s32 @!p0 $0x5  }
0x180: {  	_ =	swait.ge @!p0 [sflag:s0], $0xF40  }
0x181: {  	[sflag:s0] =	ssyncset.done @!p0 $0x0  }
0x182: {  	s1 =	simm.s32 @!p0 $0x6;
	[sflag:s0] =	ssyncadd.s32 @!p0 $0xFFFFF0C0  }
0x183: {  	_ =	swait.ge @!p0 [sflag:s1], $0xF40  }
0x184: {  	[sflag:s1] =	ssyncset.done @!p0 $0x0  }
0x185: {  	[sflag:s1] =	ssyncadd.s32 @!p0 $0xFFFFF0C0  }
0x186: {  	_ =	swait.ge @!p0 [sflag:s0], $0x50  }
0x187: {  	[sflag:s0] =	ssyncset.done @!p0 $0x0  }
0x188: {  	[sflag:s0] =	ssyncadd.s32 @!p0 $0xFFFFFFB0  }
0x189: {  	p1 =	sne.s32 s29, $0x10;
	[bflag:$0x0] =	sbarrier.arrive $0xFFFF  }
.Ltmp8:
0x18a: {  	s21 =	sld [smem:$0x7ED];
	(pc) =	sbr.rel @p1 .LBB2_6-.Ltmp8, $4  }
.Ltmp9:
0x18b: {  	s11 =	sld [smem:$0x7EE];
	(pc) =	sbr.rel @!p1 .LBB2_15-.Ltmp9, $4  }
0x18c: {  	_ = 	snop  }
0x18d: {  	s9 =	smov.u32 s31  }
0x18e: {  	s6 =	rddreg [dreg:$0xc];
	s21 =	sadd.s32 $0x1, s21;
	s11 =	sadd.s32 $0x1, s11  }
0x18f: {  	_ = 	snop  }
.LBB2_16:
0x190: {  	_ =	sfence.sel $0x180000  }
0x191: {  	[bflag:$0x0] =	sbarrier.arrive $0xFFFF  }
0x192: {  	_ =	strace $0x90000047  }
0x193: {  	[bflag:$0x2] =	sbarrier.arrive $0xFFFF  }
0x194: {  	s0 =	rddreg [dreg:$0x3]  }
0x195: {  	s0 =	sadd.s32 @!p0 $0x100000, s0  }
0x196: {  	[sflag:s0] =	ssyncadd.tile.s32 @!p0 $0x1;
	_ =	shalt  }
.Lfunc_end2:
_tile_overlayer_lowered:
.L_overlay_start_2:
0x197: {  	(tag) =	ssettag $0x2  }
0x198: {  	s0 =	rddreg [dreg:$0x0];
	s2 =	stileid.u32  }
0x199: {  	s1 =	rddreg [dreg:$0x1];
	p0 =	sne.s32 s2, $0x0  }
0x19a: {  	s3 =	rddreg [dreg:$0x2];
	[bflag:$0x3] =	sbarrier.arrive $0xFFFF;
	s2 =	simm.s32 @!p0 $0x1C07  }
0x19b: {  	[timem:s3], [sflag:s2] =	dma.local @!p0 [hbm:s0], s1  }
0x19c: {  	s0 =	simm.s32 @!p0 $0x7  }
0x19d: {  	_ =	swait.ge @!p0 [sflag:s0], s1  }
0x19e: {  	s1 =	ssub.s32 @!p0 $0x0, s1;
	[sflag:s0] =	ssyncset.done @!p0 $0x0  }
0x19f: {  	[sflag:s0] =	ssyncadd.s32 @!p0 s1  }
0x1a0: {  	[bflag:$0x3] =	sbarrier.arrive $0xFFFF  }
0x1a1: {  	_ =	shalt  }

</sc_bundles>
